<compile_context>
chip_gen: v7x
topology: tpu7x:2x2x1
jax: 0.10.2.dev20260603
libtpu: 0.0.44.dev20260713+nightly
codegen_flags: <defaults>
</compile_context>

<pallas_src>
import functools

import jax
import jax.numpy as jnp
from jax import lax
from jax.experimental import pallas as pl
from jax.experimental.pallas import tpu as pltpu
from jax.experimental.pallas import tpu_sc as plsc

N_NODES = 10000
N_PAD = 10240
E = 320000
CH = 128
NC, NS = 2, 16
NW = NC * NS
EPT = E // NW
EK_C = 80
NCH = EPT // EK_C
RING = 2
NFULL = (NCH // RING) * RING
NPT = N_PAD // NS

_MESH = plsc.VectorSubcoreMesh(core_axis_name="c", subcore_axis_name="s")


@functools.partial(
    pl.kernel,
    out_type=jax.ShapeDtypeStruct((NW * N_PAD,), jnp.float32),
    mesh=_MESH,
    scratch_types=[
        pltpu.VMEM((N_PAD,), jnp.float32),
        pltpu.VMEM((EPT,), jnp.int32),
    ],
    compiler_params=pltpu.CompilerParams(needs_layout_passes=False),
)
def _deg_kernel(dst_hbm, out_hbm, hist, idx):
    cid = lax.axis_index("c")
    sid = lax.axis_index("s")
    wid = sid * NC + cid

    zeros16 = jnp.zeros((16,), jnp.float32)
    ones16 = jnp.ones((16,), jnp.float32)

    def zero_body(i, carry):
        for u in range(5):
            hist[pl.ds((i * 5 + u) * 16, 16)] = zeros16
        return carry

    lax.fori_loop(0, N_PAD // 80, zero_body, 0)
    pltpu.sync_copy(dst_hbm.at[pl.ds(wid * EPT, EPT)], idx)

    def vec_body(j, carry):
        for u in range(5):
            iv = idx[pl.ds((j * 5 + u) * 16, 16)]
            plsc.addupdate_scatter(hist, [iv], ones16)
        return carry

    lax.fori_loop(0, EPT // 80, vec_body, 0)
    pltpu.sync_copy(hist, out_hbm.at[pl.ds(wid * N_PAD, N_PAD)])


def _scale_body(x_ref, p_ref, o_ref):
    ones = jnp.ones((NW, CH), jnp.float32)
    degb = lax.dot_general(
        p_ref[...], ones, (((0,), (0,)), ((), ())),
        preferred_element_type=jnp.float32,
    )[:N_NODES] + 1.0
    o_ref[...] = x_ref[...] * lax.rsqrt(degb)


def _scale_kernel(x, partials):
    return pl.pallas_call(
        _scale_body,
        out_shape=jax.ShapeDtypeStruct((N_NODES, CH), jnp.float32),
    )(x, partials)


@functools.partial(
    pl.kernel,
    out_type=jax.ShapeDtypeStruct((NC * N_PAD, CH), jnp.float32),
    mesh=_MESH,
    scratch_types=[
        pltpu.VMEM_SHARED((N_PAD, CH), jnp.float32),
        pltpu.VMEM((EPT,), jnp.int32),
        pltpu.VMEM((EPT,), jnp.int32),
    ]
    + [pltpu.VMEM((EK_C, CH), jnp.float32) for _ in range(RING)]
    + [pltpu.SemaphoreType.DMA for _ in range(2 * RING)],
    compiler_params=pltpu.CompilerParams(needs_layout_passes=False),
)
def _agg_kernel(xp_hbm, src_hbm, dst_hbm, zero_hbm, out_hbm,
                acc, sidx, didx, *bufs):
    rows = bufs[:RING]
    semg = bufs[RING : 2 * RING]
    sems = bufs[2 * RING :]
    cid = lax.axis_index("c")
    sid = lax.axis_index("s")
    wid = sid * NC + cid

    pltpu.sync_copy(src_hbm.at[pl.ds(wid * EPT, EPT)], sidx)
    pltpu.sync_copy(dst_hbm.at[pl.ds(wid * EPT, EPT)], didx)
    pltpu.sync_copy(zero_hbm, acc.at[pl.ds(sid * NPT, NPT)])
    plsc.subcore_barrier()

    for b in range(RING):
        pltpu.async_copy(xp_hbm.at[sidx.at[pl.ds(b * EK_C, EK_C)]],
                         rows[b], semg[b])

    def group_body(g, carry):
        for b in range(RING):
            c = g * RING + b
            pltpu.make_async_copy(xp_hbm.at[sidx.at[pl.ds(0, EK_C)]],
                                  rows[b], semg[b]).wait()
            pltpu.async_copy(rows[b], acc.at[didx.at[pl.ds(c * EK_C, EK_C)]],
                             sems[b], add=True).wait()

            @pl.when(c + RING < NCH)
            def _():
                pltpu.async_copy(
                    xp_hbm.at[sidx.at[pl.ds((c + RING) * EK_C, EK_C)]],
                    rows[b], semg[b])

        return carry

    lax.fori_loop(0, NFULL // RING, group_body, 0)
    for c in range(NFULL, NCH):
        b = c % RING
        pltpu.make_async_copy(xp_hbm.at[sidx.at[pl.ds(0, EK_C)]],
                              rows[b], semg[b]).wait()
        pltpu.async_copy(rows[b], acc.at[didx.at[pl.ds(c * EK_C, EK_C)]],
                         sems[b], add=True).wait()
    plsc.subcore_barrier()

    pltpu.sync_copy(acc.at[pl.ds(sid * NPT, NPT)],
                    out_hbm.at[pl.ds(cid * N_PAD + sid * NPT, NPT)])


def _final_body(p_ref, x_ref, a_ref, w_ref, b_ref, g_ref, bb_ref,
                o_ref):
    ones = jnp.ones((NW, CH), jnp.float32)
    degb = lax.dot_general(
        p_ref[...], ones, (((0,), (0,)), ((), ())),
        preferred_element_type=jnp.float32,
    )[:N_NODES] + 1.0
    asum = (a_ref[0 : N_NODES, :]
            + a_ref[N_PAD : N_PAD + N_NODES, :])
    agg = lax.rsqrt(degb) * asum + x_ref[...] / degb
    h = jnp.dot(agg, w_ref[...], preferred_element_type=jnp.float32)
    h = jnp.maximum(h + b_ref[...], 0.0)
    m = jnp.mean(h, axis=0, keepdims=True)
    v = jnp.mean((h - m) * (h - m), axis=0, keepdims=True)
    hn = (h - m) * lax.rsqrt(v + 1e-5) * g_ref[...] + bb_ref[...]
    o_ref[...] = jnp.maximum(hn[:, : CH // 2], hn[:, CH // 2 :])


def _final_kernel(partials, x, accs, Wr, br, gr, betar):
    return pl.pallas_call(
        _final_body,
        out_shape=jax.ShapeDtypeStruct((N_NODES, CH // 2), jnp.float32),
    )(partials, x, accs, Wr, br, gr, betar)


def kernel(x, edge_index, W, b, bn_gamma, bn_beta):
    src = edge_index[0].astype(jnp.int32)
    dst = edge_index[1].astype(jnp.int32)

    partials = _deg_kernel(dst).reshape(NW, N_PAD)
    xprime = _scale_kernel(x, partials)
    zeros = jnp.zeros((NPT, CH), jnp.float32)
    accs = _agg_kernel(xprime, src, dst, zeros)

    Wr = jnp.concatenate([W[:, 0::2], W[:, 1::2]], axis=1)
    br = jnp.concatenate([b[0::2], b[1::2]]).reshape(1, CH)
    gr = jnp.concatenate([bn_gamma[0::2], bn_gamma[1::2]]).reshape(1, CH)
    betar = jnp.concatenate([bn_beta[0::2], bn_beta[1::2]]).reshape(1, CH)

    return _final_kernel(partials, x, accs, Wr, br, gr, betar)

# --- scband reference (transcript-rebuilt; emitter-appended) ---
"""Pipeline reference for scband-gcnblock-segpr-79396765434249 (READ-ONLY COPY).

The authoritative reference and input builder live on the scoring server;
editing this copy changes nothing except your own understanding.
"""

import jax, jax.numpy as jnp
import numpy as np

N_NODES = 10000
N_EDGES = 320000
IN_CH = 128
OUT_CH = 128

def setup_inputs(seed: int = 0) -> dict:
    key = jax.random.key(seed)
    k1, k2, k3, k4, k5, k6 = jax.random.split(key, 6)
    x = jax.random.normal(k1, (N_NODES, IN_CH), dtype=jnp.float32)
    edge_index = jax.random.randint(k2, (2, N_EDGES), 0, N_NODES, dtype=jnp.int64)
    # GCNConv linear weight (glorot) and bias
    limit = jnp.sqrt(6.0 / (IN_CH + OUT_CH))
    W = jax.random.uniform(k3, (IN_CH, OUT_CH), dtype=jnp.float32, minval=-limit, maxval=limit)
    b = jnp.zeros((OUT_CH,), dtype=jnp.float32)
    # BatchNorm1d affine params
    bn_gamma = jnp.ones((OUT_CH,), dtype=jnp.float32)
    bn_beta = jnp.zeros((OUT_CH,), dtype=jnp.float32)
    return {"x": x, "edge_index": edge_index, "W": W, "b": b, "bn_gamma": bn_gamma, "bn_beta": bn_beta}

def reference(x, edge_index, W, b, bn_gamma, bn_beta):
    N = x.shape[0]
    # ---- GCNConv (add self-loops, symmetric normalization) ----
    src = edge_index[0]
    dst = edge_index[1]
    loop = jnp.arange(N, dtype=edge_index.dtype)
    row = jnp.concatenate([src, loop])  # message source
    col = jnp.concatenate([dst, loop])  # message destination
    ones = jnp.ones(row.shape[0], dtype=jnp.float32)
    deg = jnp.zeros((N,), dtype=jnp.float32).at[col].add(ones)
    deg_inv_sqrt = jnp.where(deg > 0, deg ** -0.5, 0.0)
    norm = deg_inv_sqrt[row] * deg_inv_sqrt[col]
    h = x @ W  # [N, out]
    msg = h[row] * norm[:, None]  # gather + scale
    out = jnp.zeros((N, h.shape[1]), dtype=h.dtype).at[col].add(msg)  # scatter-add
    out = out + b
    # ---- ReLU ----
    out = jax.nn.relu(out)
    # ---- BatchNorm1d (training mode: batch statistics over node dim) ----
    mean = jnp.mean(out, axis=0)
    var = jnp.var(out, axis=0)
    out = (out - mean) / jnp.sqrt(var + 1e-5)
    out = out * bn_gamma + bn_beta
    # ---- MaxPool1d(kernel_size=2): 2D input pooled along last (channel) dim ----
    out = out.reshape(N, out.shape[1] // 2, 2)
    out = jnp.max(out, axis=-1)
    return out

if __name__ == "__main__":
    import jax
    _d = setup_inputs()
    print(jax.jit(kernel)(*tuple(_d.values())))

</pallas_src>

<mosaic_0001>
#map = affine_map<(d0, d1) -> (0)>
module attributes {stable_mosaic.version = 14 : i64} {
  func.func @_deg_kernel(%arg0: i32, %arg1: i32, %arg2: memref<320000xi32, #tpu.memory_space<hbm>>, %arg3: memref<327680xf32, #tpu.memory_space<hbm>>, %arg4: memref<10240xf32, #tpu.memory_space<vmem>>, %arg5: memref<10000xi32, #tpu.memory_space<vmem>>) attributes {dimension_semantics = [#tpu.dimension_semantics<core_parallel>, #tpu.dimension_semantics<subcore_parallel>], iteration_bounds = array<i64: 2, 16>, scalar_prefetch = 0 : i64, scratch_operands = 2 : i64, tpu.core_type = #tpu.core_type<sc_vector_subcore>, window_params = [{transform_indices = #map}, {transform_indices = #map}]} {
    %mul3A = arith.constant 2 : i32
    %mul3A_0 = arith.muli %arg1, %mul3A : i32
    %add3A = arith.addi %mul3A_0, %arg0 : i32
    %broadcast_in_dim3A = arith.constant 0.000000e+00 : f32
    %broadcast_in_dim3A_1 = vector.broadcast %broadcast_in_dim3A : f32 to vector<16xf32>
    %broadcast_in_dim3A_2 = arith.constant 1.000000e+00 : f32
    %broadcast_in_dim3A_3 = vector.broadcast %broadcast_in_dim3A_2 : f32 to vector<16xf32>
    %scan3A = arith.constant 0 : i32
    %scan3A_4 = arith.constant 0 : i32
    %scan3A_5 = arith.constant 128 : i32
    %scan3A_6 = arith.addi %scan3A_4, %scan3A_5 : i32
    %scan3A_7 = arith.constant 1 : i32
    scf.for %scan3A_19 = %scan3A_4 to %scan3A_6 step %scan3A_7  : i32 {
      %mul3A_20 = arith.constant 5 : i32
      %mul3A_21 = arith.muli %scan3A_19, %mul3A_20 : i32
      %add3A_22 = arith.constant 0 : i32
      %add3A_23 = arith.addi %mul3A_21, %add3A_22 : i32
      %mul3A_24 = arith.constant 16 : i32
      %mul3A_25 = arith.muli %add3A_23, %mul3A_24 : i32
      %swap3A = arith.index_cast %mul3A_25 : i32 to index
      %swap3A_26 = tpu.vector_load %arg4[%swap3A] {strides = array<i32>} : memref<10240xf32, #tpu.memory_space<vmem>>, vector<16xf32>,
      tpu.vector_store %arg4[%swap3A], %broadcast_in_dim3A_1 {strides = array<i32>} : memref<10240xf32, #tpu.memory_space<vmem>>, vector<16xf32>,
      %mul3A_27 = arith.constant 5 : i32
      %mul3A_28 = arith.muli %scan3A_19, %mul3A_27 : i32
      %add3A_29 = arith.constant 1 : i32
      %add3A_30 = arith.addi %mul3A_28, %add3A_29 : i32
      %mul3A_31 = arith.constant 16 : i32
      %mul3A_32 = arith.muli %add3A_30, %mul3A_31 : i32
      %swap3A_33 = arith.index_cast %mul3A_32 : i32 to index
      %swap3A_34 = tpu.vector_load %arg4[%swap3A_33] {strides = array<i32>} : memref<10240xf32, #tpu.memory_space<vmem>>, vector<16xf32>,
      tpu.vector_store %arg4[%swap3A_33], %broadcast_in_dim3A_1 {strides = array<i32>} : memref<10240xf32, #tpu.memory_space<vmem>>, vector<16xf32>,
      %mul3A_35 = arith.constant 5 : i32
      %mul3A_36 = arith.muli %scan3A_19, %mul3A_35 : i32
      %add3A_37 = arith.constant 2 : i32
      %add3A_38 = arith.addi %mul3A_36, %add3A_37 : i32
      %mul3A_39 = arith.constant 16 : i32
      %mul3A_40 = arith.muli %add3A_38, %mul3A_39 : i32
      %swap3A_41 = arith.index_cast %mul3A_40 : i32 to index
      %swap3A_42 = tpu.vector_load %arg4[%swap3A_41] {strides = array<i32>} : memref<10240xf32, #tpu.memory_space<vmem>>, vector<16xf32>,
      tpu.vector_store %arg4[%swap3A_41], %broadcast_in_dim3A_1 {strides = array<i32>} : memref<10240xf32, #tpu.memory_space<vmem>>, vector<16xf32>,
      %mul3A_43 = arith.constant 5 : i32
      %mul3A_44 = arith.muli %scan3A_19, %mul3A_43 : i32
      %add3A_45 = arith.constant 3 : i32
      %add3A_46 = arith.addi %mul3A_44, %add3A_45 : i32
      %mul3A_47 = arith.constant 16 : i32
      %mul3A_48 = arith.muli %add3A_46, %mul3A_47 : i32
      %swap3A_49 = arith.index_cast %mul3A_48 : i32 to index
      %swap3A_50 = tpu.vector_load %arg4[%swap3A_49] {strides = array<i32>} : memref<10240xf32, #tpu.memory_space<vmem>>, vector<16xf32>,
      tpu.vector_store %arg4[%swap3A_49], %broadcast_in_dim3A_1 {strides = array<i32>} : memref<10240xf32, #tpu.memory_space<vmem>>, vector<16xf32>,
      %mul3A_51 = arith.constant 5 : i32
      %mul3A_52 = arith.muli %scan3A_19, %mul3A_51 : i32
      %add3A_53 = arith.constant 4 : i32
      %add3A_54 = arith.addi %mul3A_52, %add3A_53 : i32
      %mul3A_55 = arith.constant 16 : i32
      %mul3A_56 = arith.muli %add3A_54, %mul3A_55 : i32
      %swap3A_57 = arith.index_cast %mul3A_56 : i32 to index
      %swap3A_58 = tpu.vector_load %arg4[%swap3A_57] {strides = array<i32>} : memref<10240xf32, #tpu.memory_space<vmem>>, vector<16xf32>,
      tpu.vector_store %arg4[%swap3A_57], %broadcast_in_dim3A_1 {strides = array<i32>} : memref<10240xf32, #tpu.memory_space<vmem>>, vector<16xf32>,
    }
    %scan3A_8 = arith.constant 128 : i32
    %mul3A_9 = arith.constant 10000 : i32
    %mul3A_10 = arith.muli %add3A, %mul3A_9 : i32
    "tpu.region"() ({
      %run_scoped3A = tpu.sem_alloc : memref<!tpu.dma_semaphore, #tpu.memory_space<semaphore_mem>>
      %dma_start3A = tpu.memref_slice %arg2[%mul3A_10] : memref<320000xi32, #tpu.memory_space<hbm>> -> memref<10000xi32, #tpu.memory_space<hbm>>
      %dma_start3A_19 = tpu.memref_slice %arg2[%mul3A_10] : memref<320000xi32, #tpu.memory_space<hbm>> -> memref<10000xi32, #tpu.memory_space<hbm>>
      tpu.enqueue_dma source(%dma_start3A_19 : memref<10000xi32, #tpu.memory_space<hbm>>) target(%arg5 : memref<10000xi32, #tpu.memory_space<vmem>>) target_semaphore(%run_scoped3A : memref<!tpu.dma_semaphore, #tpu.memory_space<semaphore_mem>>)
      %dma_wait3A = tpu.memref_slice %arg2[%mul3A_10] : memref<320000xi32, #tpu.memory_space<hbm>> -> memref<10000xi32, #tpu.memory_space<hbm>>
      %dma_wait3A_20 = tpu.memref_slice %arg2[%mul3A_10] : memref<320000xi32, #tpu.memory_space<hbm>> -> memref<10000xi32, #tpu.memory_space<hbm>>
      tpu.wait_dma2 semaphore(%run_scoped3A : memref<!tpu.dma_semaphore, #tpu.memory_space<semaphore_mem>>) src(%dma_wait3A_20 : memref<10000xi32, #tpu.memory_space<hbm>>) dst(%arg5 : memref<10000xi32, #tpu.memory_space<vmem>>)
      tpu.yield
    }) : () -> ()
    %scan3A_11 = arith.constant 0 : i32
    %scan3A_12 = arith.constant 0 : i32
    %scan3A_13 = arith.constant 125 : i32
    %scan3A_14 = arith.addi %scan3A_12, %scan3A_13 : i32
    %scan3A_15 = arith.constant 1 : i32
    scf.for %scan3A_19 = %scan3A_12 to %scan3A_14 step %scan3A_15  : i32 {
      %mul3A_20 = arith.constant 5 : i32
      %mul3A_21 = arith.muli %scan3A_19, %mul3A_20 : i32
      %add3A_22 = arith.constant 0 : i32
      %add3A_23 = arith.addi %mul3A_21, %add3A_22 : i32
      %mul3A_24 = arith.constant 16 : i32
      %mul3A_25 = arith.muli %add3A_23, %mul3A_24 : i32
      %get3A = arith.index_cast %mul3A_25 : i32 to index
      %get3A_26 = tpu.vector_load %arg5[%get3A] {strides = array<i32>} : memref<10000xi32, #tpu.memory_space<vmem>>, vector<16xi32>,
      tpu.vector_store_idx %arg4[%get3A_26], %broadcast_in_dim3A_3 {add = true} : memref<10240xf32, #tpu.memory_space<vmem>>[vector<16xi32>], vector<16xf32>,
      %mul3A_27 = arith.constant 5 : i32
      %mul3A_28 = arith.muli %scan3A_19, %mul3A_27 : i32
      %add3A_29 = arith.constant 1 : i32
      %add3A_30 = arith.addi %mul3A_28, %add3A_29 : i32
      %mul3A_31 = arith.constant 16 : i32
      %mul3A_32 = arith.muli %add3A_30, %mul3A_31 : i32
      %get3A_33 = arith.index_cast %mul3A_32 : i32 to index
      %get3A_34 = tpu.vector_load %arg5[%get3A_33] {strides = array<i32>} : memref<10000xi32, #tpu.memory_space<vmem>>, vector<16xi32>,
      tpu.vector_store_idx %arg4[%get3A_34], %broadcast_in_dim3A_3 {add = true} : memref<10240xf32, #tpu.memory_space<vmem>>[vector<16xi32>], vector<16xf32>,
      %mul3A_35 = arith.constant 5 : i32
      %mul3A_36 = arith.muli %scan3A_19, %mul3A_35 : i32
      %add3A_37 = arith.constant 2 : i32
      %add3A_38 = arith.addi %mul3A_36, %add3A_37 : i32
      %mul3A_39 = arith.constant 16 : i32
      %mul3A_40 = arith.muli %add3A_38, %mul3A_39 : i32
      %get3A_41 = arith.index_cast %mul3A_40 : i32 to index
      %get3A_42 = tpu.vector_load %arg5[%get3A_41] {strides = array<i32>} : memref<10000xi32, #tpu.memory_space<vmem>>, vector<16xi32>,
      tpu.vector_store_idx %arg4[%get3A_42], %broadcast_in_dim3A_3 {add = true} : memref<10240xf32, #tpu.memory_space<vmem>>[vector<16xi32>], vector<16xf32>,
      %mul3A_43 = arith.constant 5 : i32
      %mul3A_44 = arith.muli %scan3A_19, %mul3A_43 : i32
      %add3A_45 = arith.constant 3 : i32
      %add3A_46 = arith.addi %mul3A_44, %add3A_45 : i32
      %mul3A_47 = arith.constant 16 : i32
      %mul3A_48 = arith.muli %add3A_46, %mul3A_47 : i32
      %get3A_49 = arith.index_cast %mul3A_48 : i32 to index
      %get3A_50 = tpu.vector_load %arg5[%get3A_49] {strides = array<i32>} : memref<10000xi32, #tpu.memory_space<vmem>>, vector<16xi32>,
      tpu.vector_store_idx %arg4[%get3A_50], %broadcast_in_dim3A_3 {add = true} : memref<10240xf32, #tpu.memory_space<vmem>>[vector<16xi32>], vector<16xf32>,
      %mul3A_51 = arith.constant 5 : i32
      %mul3A_52 = arith.muli %scan3A_19, %mul3A_51 : i32
      %add3A_53 = arith.constant 4 : i32
      %add3A_54 = arith.addi %mul3A_52, %add3A_53 : i32
      %mul3A_55 = arith.constant 16 : i32
      %mul3A_56 = arith.muli %add3A_54, %mul3A_55 : i32
      %get3A_57 = arith.index_cast %mul3A_56 : i32 to index
      %get3A_58 = tpu.vector_load %arg5[%get3A_57] {strides = array<i32>} : memref<10000xi32, #tpu.memory_space<vmem>>, vector<16xi32>,
      tpu.vector_store_idx %arg4[%get3A_58], %broadcast_in_dim3A_3 {add = true} : memref<10240xf32, #tpu.memory_space<vmem>>[vector<16xi32>], vector<16xf32>,
    }
    %scan3A_16 = arith.constant 125 : i32
    %mul3A_17 = arith.constant 10240 : i32
    %mul3A_18 = arith.muli %add3A, %mul3A_17 : i32
    "tpu.region"() ({
      %run_scoped3A = tpu.sem_alloc : memref<!tpu.dma_semaphore, #tpu.memory_space<semaphore_mem>>
      %dma_start3A = tpu.memref_slice %arg3[%mul3A_18] : memref<327680xf32, #tpu.memory_space<hbm>> -> memref<10240xf32, #tpu.memory_space<hbm>>
      %dma_start3A_19 = tpu.memref_slice %arg3[%mul3A_18] : memref<327680xf32, #tpu.memory_space<hbm>> -> memref<10240xf32, #tpu.memory_space<hbm>>
      tpu.enqueue_dma source(%arg4 : memref<10240xf32, #tpu.memory_space<vmem>>) target(%dma_start3A_19 : memref<10240xf32, #tpu.memory_space<hbm>>) target_semaphore(%run_scoped3A : memref<!tpu.dma_semaphore, #tpu.memory_space<semaphore_mem>>)
      %dma_wait3A = tpu.memref_slice %arg3[%mul3A_18] : memref<327680xf32, #tpu.memory_space<hbm>> -> memref<10240xf32, #tpu.memory_space<hbm>>
      %dma_wait3A_20 = tpu.memref_slice %arg3[%mul3A_18] : memref<327680xf32, #tpu.memory_space<hbm>> -> memref<10240xf32, #tpu.memory_space<hbm>>
      tpu.wait_dma2 semaphore(%run_scoped3A : memref<!tpu.dma_semaphore, #tpu.memory_space<semaphore_mem>>) src(%arg4 : memref<10240xf32, #tpu.memory_space<vmem>>) dst(%dma_wait3A_20 : memref<10240xf32, #tpu.memory_space<hbm>>)
      tpu.yield
    }) : () -> ()
    return
  }
}

#map = affine_map<(d0, d1) -> (0, 0)>
#map1 = affine_map<(d0, d1) -> (0)>
module attributes {stable_mosaic.version = 14 : i64} {
  func.func @_agg_kernel(%arg0: i32, %arg1: i32, %arg2: memref<10000x128xf32, #tpu.memory_space<hbm>>, %arg3: memref<320000xi32, #tpu.memory_space<hbm>>, %arg4: memref<320000xi32, #tpu.memory_space<hbm>>, %arg5: memref<640x128xf32, #tpu.memory_space<hbm>>, %arg6: memref<20480x128xf32, #tpu.memory_space<hbm>>, %arg7: memref<10240x128xf32, #tpu.memory_space<vmem_shared>>, %arg8: memref<10000xi32, #tpu.memory_space<vmem>>, %arg9: memref<10000xi32, #tpu.memory_space<vmem>>, %arg10: memref<80x128xf32, #tpu.memory_space<vmem>>, %arg11: memref<80x128xf32, #tpu.memory_space<vmem>>, %arg12: memref<!tpu.dma_semaphore, #tpu.memory_space<semaphore_mem>>, %arg13: memref<!tpu.dma_semaphore, #tpu.memory_space<semaphore_mem>>, %arg14: memref<!tpu.dma_semaphore, #tpu.memory_space<semaphore_mem>>, %arg15: memref<!tpu.dma_semaphore, #tpu.memory_space<semaphore_mem>>) attributes {dimension_semantics = [#tpu.dimension_semantics<core_parallel>, #tpu.dimension_semantics<subcore_parallel>], iteration_bounds = array<i64: 2, 16>, scalar_prefetch = 0 : i64, scratch_operands = 9 : i64, tpu.core_type = #tpu.core_type<sc_vector_subcore>, window_params = [{transform_indices = #map}, {transform_indices = #map1}, {transform_indices = #map1}, {transform_indices = #map}, {transform_indices = #map}]} {
    %mul3A = arith.constant 2 : i32
    %mul3A_0 = arith.muli %arg1, %mul3A : i32
    %add3A = arith.addi %mul3A_0, %arg0 : i32
    %mul3A_1 = arith.constant 10000 : i32
    %mul3A_2 = arith.muli %add3A, %mul3A_1 : i32
    "tpu.region"() ({
      %run_scoped3A = tpu.sem_alloc : memref<!tpu.dma_semaphore, #tpu.memory_space<semaphore_mem>>
      %dma_start3A_43 = tpu.memref_slice %arg3[%mul3A_2] : memref<320000xi32, #tpu.memory_space<hbm>> -> memref<10000xi32, #tpu.memory_space<hbm>>
      %dma_start3A_44 = tpu.memref_slice %arg3[%mul3A_2] : memref<320000xi32, #tpu.memory_space<hbm>> -> memref<10000xi32, #tpu.memory_space<hbm>>
      tpu.enqueue_dma source(%dma_start3A_44 : memref<10000xi32, #tpu.memory_space<hbm>>) target(%arg8 : memref<10000xi32, #tpu.memory_space<vmem>>) target_semaphore(%run_scoped3A : memref<!tpu.dma_semaphore, #tpu.memory_space<semaphore_mem>>)
      %dma_wait3A_45 = tpu.memref_slice %arg3[%mul3A_2] : memref<320000xi32, #tpu.memory_space<hbm>> -> memref<10000xi32, #tpu.memory_space<hbm>>
      %dma_wait3A_46 = tpu.memref_slice %arg3[%mul3A_2] : memref<320000xi32, #tpu.memory_space<hbm>> -> memref<10000xi32, #tpu.memory_space<hbm>>
      tpu.wait_dma2 semaphore(%run_scoped3A : memref<!tpu.dma_semaphore, #tpu.memory_space<semaphore_mem>>) src(%dma_wait3A_46 : memref<10000xi32, #tpu.memory_space<hbm>>) dst(%arg8 : memref<10000xi32, #tpu.memory_space<vmem>>)
      tpu.yield
    }) : () -> ()
    %mul3A_3 = arith.constant 10000 : i32
    %mul3A_4 = arith.muli %add3A, %mul3A_3 : i32
    "tpu.region"() ({
      %run_scoped3A = tpu.sem_alloc : memref<!tpu.dma_semaphore, #tpu.memory_space<semaphore_mem>>
      %dma_start3A_43 = tpu.memref_slice %arg4[%mul3A_4] : memref<320000xi32, #tpu.memory_space<hbm>> -> memref<10000xi32, #tpu.memory_space<hbm>>
      %dma_start3A_44 = tpu.memref_slice %arg4[%mul3A_4] : memref<320000xi32, #tpu.memory_space<hbm>> -> memref<10000xi32, #tpu.memory_space<hbm>>
      tpu.enqueue_dma source(%dma_start3A_44 : memref<10000xi32, #tpu.memory_space<hbm>>) target(%arg9 : memref<10000xi32, #tpu.memory_space<vmem>>) target_semaphore(%run_scoped3A : memref<!tpu.dma_semaphore, #tpu.memory_space<semaphore_mem>>)
      %dma_wait3A_45 = tpu.memref_slice %arg4[%mul3A_4] : memref<320000xi32, #tpu.memory_space<hbm>> -> memref<10000xi32, #tpu.memory_space<hbm>>
      %dma_wait3A_46 = tpu.memref_slice %arg4[%mul3A_4] : memref<320000xi32, #tpu.memory_space<hbm>> -> memref<10000xi32, #tpu.memory_space<hbm>>
      tpu.wait_dma2 semaphore(%run_scoped3A : memref<!tpu.dma_semaphore, #tpu.memory_space<semaphore_mem>>) src(%dma_wait3A_46 : memref<10000xi32, #tpu.memory_space<hbm>>) dst(%arg9 : memref<10000xi32, #tpu.memory_space<vmem>>)
      tpu.yield
    }) : () -> ()
    %mul3A_5 = arith.constant 640 : i32
    %mul3A_6 = arith.muli %arg1, %mul3A_5 : i32
    "tpu.region"() ({
      %run_scoped3A = tpu.sem_alloc : memref<!tpu.dma_semaphore, #tpu.memory_space<semaphore_mem>>
      %dma_start3A_43 = arith.constant 0 : i32
      %dma_start3A_44 = tpu.memref_slice %arg7[%mul3A_6, %dma_start3A_43] : memref<10240x128xf32, #tpu.memory_space<vmem_shared>> -> memref<640x128xf32, #tpu.memory_space<vmem_shared>>
      tpu.enqueue_dma source(%arg5 : memref<640x128xf32, #tpu.memory_space<hbm>>) target(%dma_start3A_44 : memref<640x128xf32, #tpu.memory_space<vmem_shared>>) target_semaphore(%run_scoped3A : memref<!tpu.dma_semaphore, #tpu.memory_space<semaphore_mem>>)
      %dma_wait3A_45 = arith.constant 0 : i32
      %dma_wait3A_46 = tpu.memref_slice %arg7[%mul3A_6, %dma_wait3A_45] : memref<10240x128xf32, #tpu.memory_space<vmem_shared>> -> memref<640x128xf32, #tpu.memory_space<vmem_shared>>
      tpu.wait_dma2 semaphore(%run_scoped3A : memref<!tpu.dma_semaphore, #tpu.memory_space<semaphore_mem>>) src(%arg5 : memref<640x128xf32, #tpu.memory_space<hbm>>) dst(%dma_wait3A_46 : memref<640x128xf32, #tpu.memory_space<vmem_shared>>)
      tpu.yield
    }) : () -> ()
    %barrier3A = arith.constant 0 : index
    tpu.barrier barrier_id(%barrier3A)
    %dma_start3A = arith.constant 0 : i32
    %dma_start3A_7 = tpu.memref_slice %arg8[%dma_start3A] : memref<10000xi32, #tpu.memory_space<vmem>> -> memref<80xi32, #tpu.memory_space<vmem>>
    %dma_start3A_8 = arith.constant 0 : i32
    %dma_start3A_9 = arith.constant 0 : i32
    %dma_start3A_10 = tpu.memref_slice %arg2[%dma_start3A_8, %dma_start3A_9] : memref<10000x128xf32, #tpu.memory_space<hbm>> -> memref<10000x128xf32, #tpu.memory_space<hbm>>
    tpu.enqueue_indirect_dma source(%dma_start3A_10 : memref<10000x128xf32, #tpu.memory_space<hbm>>) target(%arg10 : memref<80x128xf32, #tpu.memory_space<vmem>>) offsets(%dma_start3A_7 : memref<80xi32, #tpu.memory_space<vmem>>) semaphore(%arg12 : memref<!tpu.dma_semaphore, #tpu.memory_space<semaphore_mem>>)
    %dma_start3A_11 = arith.constant 80 : i32
    %dma_start3A_12 = tpu.memref_slice %arg8[%dma_start3A_11] : memref<10000xi32, #tpu.memory_space<vmem>> -> memref<80xi32, #tpu.memory_space<vmem>>
    %dma_start3A_13 = arith.constant 0 : i32
    %dma_start3A_14 = arith.constant 0 : i32
    %dma_start3A_15 = tpu.memref_slice %arg2[%dma_start3A_13, %dma_start3A_14] : memref<10000x128xf32, #tpu.memory_space<hbm>> -> memref<10000x128xf32, #tpu.memory_space<hbm>>
    tpu.enqueue_indirect_dma source(%dma_start3A_15 : memref<10000x128xf32, #tpu.memory_space<hbm>>) target(%arg11 : memref<80x128xf32, #tpu.memory_space<vmem>>) offsets(%dma_start3A_12 : memref<80xi32, #tpu.memory_space<vmem>>) semaphore(%arg13 : memref<!tpu.dma_semaphore, #tpu.memory_space<semaphore_mem>>)
    %scan3A = arith.constant 0 : i32
    %scan3A_16 = arith.constant 0 : i32
    %scan3A_17 = arith.constant 62 : i32
    %scan3A_18 = arith.addi %scan3A_16, %scan3A_17 : i32
    %scan3A_19 = arith.constant 1 : i32
    scf.for %scan3A_43 = %scan3A_16 to %scan3A_18 step %scan3A_19  : i32 {
      %mul3A_44 = arith.constant 2 : i32
      %mul3A_45 = arith.muli %scan3A_43, %mul3A_44 : i32
      %add3A_46 = arith.constant 0 : i32
      %add3A_47 = arith.addi %mul3A_45, %add3A_46 : i32
      %dma_wait3A_48 = arith.constant 0 : i32
      %dma_wait3A_49 = tpu.memref_slice %arg8[%dma_wait3A_48] : memref<10000xi32, #tpu.memory_space<vmem>> -> memref<80xi32, #tpu.memory_space<vmem>>
      %dma_wait3A_50 = arith.constant 0 : i32
      %dma_wait3A_51 = arith.constant 0 : i32
      %dma_wait3A_52 = tpu.memref_slice %arg2[%dma_wait3A_50, %dma_wait3A_51] : memref<10000x128xf32, #tpu.memory_space<hbm>> -> memref<10000x128xf32, #tpu.memory_space<hbm>>
      tpu.wait_indirect_dma semaphore(%arg12 : memref<!tpu.dma_semaphore, #tpu.memory_space<semaphore_mem>>) src(%dma_wait3A_52 : memref<10000x128xf32, #tpu.memory_space<hbm>>) dst(%arg10 : memref<80x128xf32, #tpu.memory_space<vmem>>)
      %mul3A_53 = arith.constant 80 : i32
      %mul3A_54 = arith.muli %add3A_47, %mul3A_53 : i32
      %dma_start3A_55 = tpu.memref_slice %arg9[%mul3A_54] : memref<10000xi32, #tpu.memory_space<vmem>> -> memref<80xi32, #tpu.memory_space<vmem>>
      %dma_start3A_56 = arith.constant 0 : i32
      %dma_start3A_57 = arith.constant 0 : i32
      %dma_start3A_58 = tpu.memref_slice %arg7[%dma_start3A_56, %dma_start3A_57] : memref<10240x128xf32, #tpu.memory_space<vmem_shared>> -> memref<10240x128xf32, #tpu.memory_space<vmem_shared>>
      tpu.enqueue_indirect_dma source(%arg10 : memref<80x128xf32, #tpu.memory_space<vmem>>) target(%dma_start3A_58 : memref<10240x128xf32, #tpu.memory_space<vmem_shared>>) offsets(%dma_start3A_55 : memref<80xi32, #tpu.memory_space<vmem>>) semaphore(%arg14 : memref<!tpu.dma_semaphore, #tpu.memory_space<semaphore_mem>>) {add = true}
      %dma_wait3A_59 = tpu.memref_slice %arg9[%mul3A_54] : memref<10000xi32, #tpu.memory_space<vmem>> -> memref<80xi32, #tpu.memory_space<vmem>>
      %dma_wait3A_60 = arith.constant 0 : i32
      %dma_wait3A_61 = arith.constant 0 : i32
      %dma_wait3A_62 = tpu.memref_slice %arg7[%dma_wait3A_60, %dma_wait3A_61] : memref<10240x128xf32, #tpu.memory_space<vmem_shared>> -> memref<10240x128xf32, #tpu.memory_space<vmem_shared>>
      tpu.wait_indirect_dma semaphore(%arg14 : memref<!tpu.dma_semaphore, #tpu.memory_space<semaphore_mem>>) src(%arg10 : memref<80x128xf32, #tpu.memory_space<vmem>>) dst(%dma_wait3A_62 : memref<10240x128xf32, #tpu.memory_space<vmem_shared>>)
      %add3A_63 = arith.constant 2 : i32
      %add3A_64 = arith.addi %add3A_47, %add3A_63 : i32
      %lt3A = arith.constant 125 : i32
      %lt3A_65 = arith.cmpi slt, %add3A_64, %lt3A : i32
      %convert_element_type3A = arith.extui %lt3A_65 : i1 to i32
      %cond3A = arith.constant 0 : i32
      %cond3A_66 = arith.cmpi ne, %convert_element_type3A, %cond3A : i32
      scf.if %cond3A_66 {
        %add3A_93 = arith.constant 2 : i32
        %add3A_94 = arith.addi %add3A_47, %add3A_93 : i32
        %mul3A_95 = arith.constant 80 : i32
        %mul3A_96 = arith.muli %add3A_94, %mul3A_95 : i32
        %dma_start3A_97 = tpu.memref_slice %arg8[%mul3A_96] : memref<10000xi32, #tpu.memory_space<vmem>> -> memref<80xi32, #tpu.memory_space<vmem>>
        %dma_start3A_98 = arith.constant 0 : i32
        %dma_start3A_99 = arith.constant 0 : i32
        %dma_start3A_100 = tpu.memref_slice %arg2[%dma_start3A_98, %dma_start3A_99] : memref<10000x128xf32, #tpu.memory_space<hbm>> -> memref<10000x128xf32, #tpu.memory_space<hbm>>
        tpu.enqueue_indirect_dma source(%dma_start3A_100 : memref<10000x128xf32, #tpu.memory_space<hbm>>) target(%arg10 : memref<80x128xf32, #tpu.memory_space<vmem>>) offsets(%dma_start3A_97 : memref<80xi32, #tpu.memory_space<vmem>>) semaphore(%arg12 : memref<!tpu.dma_semaphore, #tpu.memory_space<semaphore_mem>>)
      } else {
      }
      %mul3A_67 = arith.constant 2 : i32
      %mul3A_68 = arith.muli %scan3A_43, %mul3A_67 : i32
      %add3A_69 = arith.constant 1 : i32
      %add3A_70 = arith.addi %mul3A_68, %add3A_69 : i32
      %dma_wait3A_71 = arith.constant 0 : i32
      %dma_wait3A_72 = tpu.memref_slice %arg8[%dma_wait3A_71] : memref<10000xi32, #tpu.memory_space<vmem>> -> memref<80xi32, #tpu.memory_space<vmem>>
      %dma_wait3A_73 = arith.constant 0 : i32
      %dma_wait3A_74 = arith.constant 0 : i32
      %dma_wait3A_75 = tpu.memref_slice %arg2[%dma_wait3A_73, %dma_wait3A_74] : memref<10000x128xf32, #tpu.memory_space<hbm>> -> memref<10000x128xf32, #tpu.memory_space<hbm>>
      tpu.wait_indirect_dma semaphore(%arg13 : memref<!tpu.dma_semaphore, #tpu.memory_space<semaphore_mem>>) src(%dma_wait3A_75 : memref<10000x128xf32, #tpu.memory_space<hbm>>) dst(%arg11 : memref<80x128xf32, #tpu.memory_space<vmem>>)
      %mul3A_76 = arith.constant 80 : i32
      %mul3A_77 = arith.muli %add3A_70, %mul3A_76 : i32
      %dma_start3A_78 = tpu.memref_slice %arg9[%mul3A_77] : memref<10000xi32, #tpu.memory_space<vmem>> -> memref<80xi32, #tpu.memory_space<vmem>>
      %dma_start3A_79 = arith.constant 0 : i32
      %dma_start3A_80 = arith.constant 0 : i32
      %dma_start3A_81 = tpu.memref_slice %arg7[%dma_start3A_79, %dma_start3A_80] : memref<10240x128xf32, #tpu.memory_space<vmem_shared>> -> memref<10240x128xf32, #tpu.memory_space<vmem_shared>>
      tpu.enqueue_indirect_dma source(%arg11 : memref<80x128xf32, #tpu.memory_space<vmem>>) target(%dma_start3A_81 : memref<10240x128xf32, #tpu.memory_space<vmem_shared>>) offsets(%dma_start3A_78 : memref<80xi32, #tpu.memory_space<vmem>>) semaphore(%arg15 : memref<!tpu.dma_semaphore, #tpu.memory_space<semaphore_mem>>) {add = true}
      %dma_wait3A_82 = tpu.memref_slice %arg9[%mul3A_77] : memref<10000xi32, #tpu.memory_space<vmem>> -> memref<80xi32, #tpu.memory_space<vmem>>
      %dma_wait3A_83 = arith.constant 0 : i32
      %dma_wait3A_84 = arith.constant 0 : i32
      %dma_wait3A_85 = tpu.memref_slice %arg7[%dma_wait3A_83, %dma_wait3A_84] : memref<10240x128xf32, #tpu.memory_space<vmem_shared>> -> memref<10240x128xf32, #tpu.memory_space<vmem_shared>>
      tpu.wait_indirect_dma semaphore(%arg15 : memref<!tpu.dma_semaphore, #tpu.memory_space<semaphore_mem>>) src(%arg11 : memref<80x128xf32, #tpu.memory_space<vmem>>) dst(%dma_wait3A_85 : memref<10240x128xf32, #tpu.memory_space<vmem_shared>>)
      %add3A_86 = arith.constant 2 : i32
      %add3A_87 = arith.addi %add3A_70, %add3A_86 : i32
      %lt3A_88 = arith.constant 125 : i32
      %lt3A_89 = arith.cmpi slt, %add3A_87, %lt3A_88 : i32
      %convert_element_type3A_90 = arith.extui %lt3A_89 : i1 to i32
      %cond3A_91 = arith.constant 0 : i32
      %cond3A_92 = arith.cmpi ne, %convert_element_type3A_90, %cond3A_91 : i32
      scf.if %cond3A_92 {
        %add3A_93 = arith.constant 2 : i32
        %add3A_94 = arith.addi %add3A_70, %add3A_93 : i32
        %mul3A_95 = arith.constant 80 : i32
        %mul3A_96 = arith.muli %add3A_94, %mul3A_95 : i32
        %dma_start3A_97 = tpu.memref_slice %arg8[%mul3A_96] : memref<10000xi32, #tpu.memory_space<vmem>> -> memref<80xi32, #tpu.memory_space<vmem>>
        %dma_start3A_98 = arith.constant 0 : i32
        %dma_start3A_99 = arith.constant 0 : i32
        %dma_start3A_100 = tpu.memref_slice %arg2[%dma_start3A_98, %dma_start3A_99] : memref<10000x128xf32, #tpu.memory_space<hbm>> -> memref<10000x128xf32, #tpu.memory_space<hbm>>
        tpu.enqueue_indirect_dma source(%dma_start3A_100 : memref<10000x128xf32, #tpu.memory_space<hbm>>) target(%arg11 : memref<80x128xf32, #tpu.memory_space<vmem>>) offsets(%dma_start3A_97 : memref<80xi32, #tpu.memory_space<vmem>>) semaphore(%arg13 : memref<!tpu.dma_semaphore, #tpu.memory_space<semaphore_mem>>)
      } else {
      }
    }
    %scan3A_20 = arith.constant 62 : i32
    %dma_wait3A = arith.constant 0 : i32
    %dma_wait3A_21 = tpu.memref_slice %arg8[%dma_wait3A] : memref<10000xi32, #tpu.memory_space<vmem>> -> memref<80xi32, #tpu.memory_space<vmem>>
    %dma_wait3A_22 = arith.constant 0 : i32
    %dma_wait3A_23 = arith.constant 0 : i32
    %dma_wait3A_24 = tpu.memref_slice %arg2[%dma_wait3A_22, %dma_wait3A_23] : memref<10000x128xf32, #tpu.memory_space<hbm>> -> memref<10000x128xf32, #tpu.memory_space<hbm>>
    tpu.wait_indirect_dma semaphore(%arg12 : memref<!tpu.dma_semaphore, #tpu.memory_space<semaphore_mem>>) src(%dma_wait3A_24 : memref<10000x128xf32, #tpu.memory_space<hbm>>) dst(%arg10 : memref<80x128xf32, #tpu.memory_space<vmem>>)
    %dma_start3A_25 = arith.constant 9920 : i32
    %dma_start3A_26 = tpu.memref_slice %arg9[%dma_start3A_25] : memref<10000xi32, #tpu.memory_space<vmem>> -> memref<80xi32, #tpu.memory_space<vmem>>
    %dma_start3A_27 = arith.constant 0 : i32
    %dma_start3A_28 = arith.constant 0 : i32
    %dma_start3A_29 = tpu.memref_slice %arg7[%dma_start3A_27, %dma_start3A_28] : memref<10240x128xf32, #tpu.memory_space<vmem_shared>> -> memref<10240x128xf32, #tpu.memory_space<vmem_shared>>
    tpu.enqueue_indirect_dma source(%arg10 : memref<80x128xf32, #tpu.memory_space<vmem>>) target(%dma_start3A_29 : memref<10240x128xf32, #tpu.memory_space<vmem_shared>>) offsets(%dma_start3A_26 : memref<80xi32, #tpu.memory_space<vmem>>) semaphore(%arg14 : memref<!tpu.dma_semaphore, #tpu.memory_space<semaphore_mem>>) {add = true}
    %dma_wait3A_30 = arith.constant 9920 : i32
    %dma_wait3A_31 = tpu.memref_slice %arg9[%dma_wait3A_30] : memref<10000xi32, #tpu.memory_space<vmem>> -> memref<80xi32, #tpu.memory_space<vmem>>
    %dma_wait3A_32 = arith.constant 0 : i32
    %dma_wait3A_33 = arith.constant 0 : i32
    %dma_wait3A_34 = tpu.memref_slice %arg7[%dma_wait3A_32, %dma_wait3A_33] : memref<10240x128xf32, #tpu.memory_space<vmem_shared>> -> memref<10240x128xf32, #tpu.memory_space<vmem_shared>>
    tpu.wait_indirect_dma semaphore(%arg14 : memref<!tpu.dma_semaphore, #tpu.memory_space<semaphore_mem>>) src(%arg10 : memref<80x128xf32, #tpu.memory_space<vmem>>) dst(%dma_wait3A_34 : memref<10240x128xf32, #tpu.memory_space<vmem_shared>>)
    %barrier3A_35 = arith.constant 0 : index
    tpu.barrier barrier_id(%barrier3A_35)
    %mul3A_36 = arith.constant 640 : i32
    %mul3A_37 = arith.muli %arg1, %mul3A_36 : i32
    %mul3A_38 = arith.constant 10240 : i32
    %mul3A_39 = arith.muli %arg0, %mul3A_38 : i32
    %mul3A_40 = arith.constant 640 : i32
    %mul3A_41 = arith.muli %arg1, %mul3A_40 : i32
    %add3A_42 = arith.addi %mul3A_39, %mul3A_41 : i32
    "tpu.region"() ({
      %run_scoped3A = tpu.sem_alloc : memref<!tpu.dma_semaphore, #tpu.memory_space<semaphore_mem>>
      %dma_start3A_43 = arith.constant 0 : i32
      %dma_start3A_44 = tpu.memref_slice %arg6[%add3A_42, %dma_start3A_43] : memref<20480x128xf32, #tpu.memory_space<hbm>> -> memref<640x128xf32, #tpu.memory_space<hbm>>
      %dma_start3A_45 = arith.constant 0 : i32
      %dma_start3A_46 = tpu.memref_slice %arg7[%mul3A_37, %dma_start3A_45] : memref<10240x128xf32, #tpu.memory_space<vmem_shared>> -> memref<640x128xf32, #tpu.memory_space<vmem_shared>>
      tpu.enqueue_dma source(%dma_start3A_46 : memref<640x128xf32, #tpu.memory_space<vmem_shared>>) target(%dma_start3A_44 : memref<640x128xf32, #tpu.memory_space<hbm>>) target_semaphore(%run_scoped3A : memref<!tpu.dma_semaphore, #tpu.memory_space<semaphore_mem>>)
      %dma_wait3A_47 = arith.constant 0 : i32
      %dma_wait3A_48 = tpu.memref_slice %arg6[%add3A_42, %dma_wait3A_47] : memref<20480x128xf32, #tpu.memory_space<hbm>> -> memref<640x128xf32, #tpu.memory_space<hbm>>
      %dma_wait3A_49 = arith.constant 0 : i32
      %dma_wait3A_50 = tpu.memref_slice %arg7[%mul3A_37, %dma_wait3A_49] : memref<10240x128xf32, #tpu.memory_space<vmem_shared>> -> memref<640x128xf32, #tpu.memory_space<vmem_shared>>
      tpu.wait_dma2 semaphore(%run_scoped3A : memref<!tpu.dma_semaphore, #tpu.memory_space<semaphore_mem>>) src(%dma_wait3A_50 : memref<640x128xf32, #tpu.memory_space<vmem_shared>>) dst(%dma_wait3A_48 : memref<640x128xf32, #tpu.memory_space<hbm>>)
      tpu.yield
    }) : () -> ()
    return
  }
}

module attributes {stable_mosaic.version = 14 : i64} {
  func.func @_scale_body(%arg0: memref<10000x128xf32, #tpu.memory_space<vmem>>, %arg1: memref<32x10240xf32, #tpu.memory_space<vmem>>, %arg2: memref<10000x128xf32, #tpu.memory_space<vmem>>) attributes {dimension_semantics = [], scalar_prefetch = 0 : i64, scratch_operands = 0 : i64, tpu.core_type = #tpu.core_type<tc>} {
    %broadcast_in_dim3A = arith.constant 1.000000e+00 : f32
    %broadcast_in_dim3A_0 = vector.broadcast %broadcast_in_dim3A : f32 to vector<32x128xf32>
    %get3A = arith.constant 0 : index
    %get3A_1 = arith.constant 0 : index
    %get3A_2 = vector.load %arg1[%get3A, %get3A_1] : memref<32x10240xf32, #tpu.memory_space<vmem>>, vector<32x10240xf32>
    %dot_general3A = arith.constant dense<0.000000e+00> : vector<10240x128xf32>
    %dot_general3A_3 = tpu.matmul %get3A_2, %broadcast_in_dim3A_0, %dot_general3A {dimension_numbers = #tpu.dot_dimension_numbers<[0], [0], [1], [1], [0, 1, 1, 1], [], []>, transpose_lhs_hint = false} : vector<32x10240xf32>, vector<32x128xf32>, vector<10240x128xf32> -> vector<10240x128xf32>
    %slice3A = vector.extract_strided_slice %dot_general3A_3 {offsets = [0, 0], sizes = [10000, 128], strides = [1, 1]} : vector<10240x128xf32> to vector<10000x128xf32>
    %add3A = arith.constant 1.000000e+00 : f32
    %add3A_4 = vector.broadcast %add3A : f32 to vector<10000x128xf32>
    %add3A_5 = arith.addf %slice3A, %add3A_4 : vector<10000x128xf32>
    %get3A_6 = arith.constant 0 : index
    %get3A_7 = arith.constant 0 : index
    %get3A_8 = vector.load %arg0[%get3A_6, %get3A_7] : memref<10000x128xf32, #tpu.memory_space<vmem>>, vector<10000x128xf32>
    %rsqrt3A = math.rsqrt %add3A_5 : vector<10000x128xf32>
    %mul3A = arith.mulf %get3A_8, %rsqrt3A : vector<10000x128xf32>
    %swap3A = arith.constant 0 : index
    %swap3A_9 = arith.constant 0 : index
    %swap3A_10 = vector.load %arg2[%swap3A, %swap3A_9] : memref<10000x128xf32, #tpu.memory_space<vmem>>, vector<10000x128xf32>
    tpu.vector_store %arg2[%swap3A, %swap3A_9], %mul3A {strides = array<i32>} : memref<10000x128xf32, #tpu.memory_space<vmem>>, vector<10000x128xf32>,
    return
  }
}

module attributes {stable_mosaic.version = 14 : i64} {
  func.func @_final_body(%arg0: memref<32x10240xf32, #tpu.memory_space<vmem>>, %arg1: memref<10000x128xf32, #tpu.memory_space<vmem>>, %arg2: memref<20480x128xf32, #tpu.memory_space<vmem>>, %arg3: memref<128x128xf32, #tpu.memory_space<vmem>>, %arg4: memref<1x128xf32, #tpu.memory_space<vmem>>, %arg5: memref<1x128xf32, #tpu.memory_space<vmem>>, %arg6: memref<1x128xf32, #tpu.memory_space<vmem>>, %arg7: memref<10000x64xf32, #tpu.memory_space<vmem>>) attributes {dimension_semantics = [], scalar_prefetch = 0 : i64, scratch_operands = 0 : i64, tpu.core_type = #tpu.core_type<tc>} {
    %broadcast_in_dim3A = arith.constant 1.000000e+00 : f32
    %broadcast_in_dim3A_0 = vector.broadcast %broadcast_in_dim3A : f32 to vector<32x128xf32>
    %get3A = arith.constant 0 : index
    %get3A_1 = arith.constant 0 : index
    %get3A_2 = vector.load %arg0[%get3A, %get3A_1] : memref<32x10240xf32, #tpu.memory_space<vmem>>, vector<32x10240xf32>
    %dot_general3A = arith.constant dense<0.000000e+00> : vector<10240x128xf32>
    %dot_general3A_3 = tpu.matmul %get3A_2, %broadcast_in_dim3A_0, %dot_general3A {dimension_numbers = #tpu.dot_dimension_numbers<[0], [0], [1], [1], [0, 1, 1, 1], [], []>, transpose_lhs_hint = false} : vector<32x10240xf32>, vector<32x128xf32>, vector<10240x128xf32> -> vector<10240x128xf32>
    %slice3A = vector.extract_strided_slice %dot_general3A_3 {offsets = [0, 0], sizes = [10000, 128], strides = [1, 1]} : vector<10240x128xf32> to vector<10000x128xf32>
    %add3A = arith.constant 1.000000e+00 : f32
    %add3A_4 = vector.broadcast %add3A : f32 to vector<10000x128xf32>
    %add3A_5 = arith.addf %slice3A, %add3A_4 : vector<10000x128xf32>
    %get3A_6 = arith.constant 0 : index
    %get3A_7 = arith.constant 0 : index
    %get3A_8 = vector.load %arg2[%get3A_6, %get3A_7] : memref<20480x128xf32, #tpu.memory_space<vmem>>, vector<10000x128xf32>
    %get3A_9 = arith.constant 10240 : index
    %get3A_10 = arith.constant 0 : index
    %get3A_11 = vector.load %arg2[%get3A_9, %get3A_10] : memref<20480x128xf32, #tpu.memory_space<vmem>>, vector<10000x128xf32>
    %add3A_12 = arith.addf %get3A_8, %get3A_11 : vector<10000x128xf32>
    %rsqrt3A = math.rsqrt %add3A_5 : vector<10000x128xf32>
    %mul3A = arith.mulf %rsqrt3A, %add3A_12 : vector<10000x128xf32>
    %get3A_13 = arith.constant 0 : index
    %get3A_14 = arith.constant 0 : index
    %get3A_15 = vector.load %arg1[%get3A_13, %get3A_14] : memref<10000x128xf32, #tpu.memory_space<vmem>>, vector<10000x128xf32>
    %div3A = arith.divf %get3A_15, %add3A_5 : vector<10000x128xf32>
    %add3A_16 = arith.addf %mul3A, %div3A : vector<10000x128xf32>
    %get3A_17 = arith.constant 0 : index
    %get3A_18 = arith.constant 0 : index
    %get3A_19 = vector.load %arg3[%get3A_17, %get3A_18] : memref<128x128xf32, #tpu.memory_space<vmem>>, vector<128x128xf32>
    %dot_general3A_20 = arith.constant dense<0.000000e+00> : vector<10000x128xf32>
    %dot_general3A_21 = tpu.matmul %add3A_16, %get3A_19, %dot_general3A_20 {dimension_numbers = #tpu.dot_dimension_numbers<[1], [0], [0], [1], [0, 0, 1, 1], [], []>, transpose_lhs_hint = false} : vector<10000x128xf32>, vector<128x128xf32>, vector<10000x128xf32> -> vector<10000x128xf32>
    %get3A_22 = arith.constant 0 : index
    %get3A_23 = arith.constant 0 : index
    %get3A_24 = vector.load %arg4[%get3A_22, %get3A_23] : memref<1x128xf32, #tpu.memory_space<vmem>>, vector<1x128xf32>
    %add3A_25 = vector.broadcast %get3A_24 : vector<1x128xf32> to vector<10000x128xf32>
    %add3A_26 = arith.addf %dot_general3A_21, %add3A_25 : vector<10000x128xf32>
    %max3A = arith.constant 0.000000e+00 : f32
    %max3A_27 = vector.broadcast %max3A : f32 to vector<10000x128xf32>
    %max3A_28 = arith.maximumf %add3A_26, %max3A_27 : vector<10000x128xf32>
    %reduce_sum3A = arith.constant dense<0.000000e+00> : vector<128xf32>
    %reduce_sum3A_29 = vector.multi_reduction <add>, %max3A_28, %reduce_sum3A [0] : vector<10000x128xf32> to vector<128xf32>
    %broadcast_in_dim3A_30 = vector.shape_cast %reduce_sum3A_29 : vector<128xf32> to vector<1x128xf32>
    %div3A_31 = arith.constant 1.000000e+04 : f32
    %div3A_32 = vector.broadcast %div3A_31 : f32 to vector<1x128xf32>
    %div3A_33 = arith.divf %broadcast_in_dim3A_30, %div3A_32 : vector<1x128xf32>
    %sub3A = vector.broadcast %div3A_33 : vector<1x128xf32> to vector<10000x128xf32>
    %sub3A_34 = arith.subf %max3A_28, %sub3A : vector<10000x128xf32>
    %sub3A_35 = vector.broadcast %div3A_33 : vector<1x128xf32> to vector<10000x128xf32>
    %sub3A_36 = arith.subf %max3A_28, %sub3A_35 : vector<10000x128xf32>
    %mul3A_37 = arith.mulf %sub3A_34, %sub3A_36 : vector<10000x128xf32>
    %reduce_sum3A_38 = arith.constant dense<0.000000e+00> : vector<128xf32>
    %reduce_sum3A_39 = vector.multi_reduction <add>, %mul3A_37, %reduce_sum3A_38 [0] : vector<10000x128xf32> to vector<128xf32>
    %broadcast_in_dim3A_40 = vector.shape_cast %reduce_sum3A_39 : vector<128xf32> to vector<1x128xf32>
    %div3A_41 = arith.constant 1.000000e+04 : f32
    %div3A_42 = vector.broadcast %div3A_41 : f32 to vector<1x128xf32>
    %div3A_43 = arith.divf %broadcast_in_dim3A_40, %div3A_42 : vector<1x128xf32>
    %sub3A_44 = vector.broadcast %div3A_33 : vector<1x128xf32> to vector<10000x128xf32>
    %sub3A_45 = arith.subf %max3A_28, %sub3A_44 : vector<10000x128xf32>
    %add3A_46 = arith.constant 9.99999974E-6 : f32
    %add3A_47 = vector.broadcast %add3A_46 : f32 to vector<1x128xf32>
    %add3A_48 = arith.addf %div3A_43, %add3A_47 : vector<1x128xf32>
    %rsqrt3A_49 = math.rsqrt %add3A_48 : vector<1x128xf32>
    %mul3A_50 = vector.broadcast %rsqrt3A_49 : vector<1x128xf32> to vector<10000x128xf32>
    %mul3A_51 = arith.mulf %sub3A_45, %mul3A_50 : vector<10000x128xf32>
    %get3A_52 = arith.constant 0 : index
    %get3A_53 = arith.constant 0 : index
    %get3A_54 = vector.load %arg5[%get3A_52, %get3A_53] : memref<1x128xf32, #tpu.memory_space<vmem>>, vector<1x128xf32>
    %mul3A_55 = vector.broadcast %get3A_54 : vector<1x128xf32> to vector<10000x128xf32>
    %mul3A_56 = arith.mulf %mul3A_51, %mul3A_55 : vector<10000x128xf32>
    %get3A_57 = arith.constant 0 : index
    %get3A_58 = arith.constant 0 : index
    %get3A_59 = vector.load %arg6[%get3A_57, %get3A_58] : memref<1x128xf32, #tpu.memory_space<vmem>>, vector<1x128xf32>
    %add3A_60 = vector.broadcast %get3A_59 : vector<1x128xf32> to vector<10000x128xf32>
    %add3A_61 = arith.addf %mul3A_56, %add3A_60 : vector<10000x128xf32>
    %slice3A_62 = vector.extract_strided_slice %add3A_61 {offsets = [0, 0], sizes = [10000, 64], strides = [1, 1]} : vector<10000x128xf32> to vector<10000x64xf32>
    %slice3A_63 = vector.extract_strided_slice %add3A_61 {offsets = [0, 64], sizes = [10000, 64], strides = [1, 1]} : vector<10000x128xf32> to vector<10000x64xf32>
    %max3A_64 = arith.maximumf %slice3A_62, %slice3A_63 : vector<10000x64xf32>
    %swap3A = arith.constant 0 : index
    %swap3A_65 = arith.constant 0 : index
    %swap3A_66 = vector.load %arg7[%swap3A, %swap3A_65] : memref<10000x64xf32, #tpu.memory_space<vmem>>, vector<10000x64xf32>
    tpu.vector_store %arg7[%swap3A, %swap3A_65], %max3A_64 {strides = array<i32>} : memref<10000x64xf32, #tpu.memory_space<vmem>>, vector<10000x64xf32>,
    return
  }
}

</mosaic_0001>

<sc_bundles>
// kernel: kernel.6.cloned.1.call-start
scs
__scs_entry_jumppad:
0x0: {  	(pc) =	sbr.rel $0x88, $3  }
0x1: {  	(tag) =	ssettag $0x0;
	lr =	simm.s32 $0x1  }
0x2: {  	[smem:$0x3F9B] =	sst lr;
	_ =	strace $0xD0000000  }
0x3: {  	_ = 	snop  }
0x4: {  	_ = 	snop  }
0x5: {  	_ = 	snop  }
0x6: {  	_ = 	snop  }
0x7: {  	_ = 	snop  }
__scs_overlays_trampoline_lowered:
0x8: {  	[smem:$0x3FAA] =	sst s0  }
0x9: {  	[smem:$0x3FAB] =	sst s1  }
0xa: {  	[smem:$0x3FAC] =	sst s2  }
0xb: {  	[smem:$0x3FAD] =	sst s3  }
0xc: {  	[smem:$0x3FAE] =	sst s4  }
0xd: {  	[smem:$0x3FAF] =	sst s5  }
0xe: {  	[smem:$0x3FB0] =	sst s6  }
0xf: {  	[smem:$0x3FB1] =	sst s7  }
0x10: {  	[smem:$0x3FB2] =	sst s8  }
0x11: {  	[smem:$0x3FB3] =	sst s9;
	s0 =	simm.s32 @!p0 $0x0  }
0x12: {  	s1 =	sld [smem:$0x3F99];
	s0 =	simm.s32 @p0 $0x1  }
0x13: {  	[smem:$0x3FB4] =	sst s0;
	s0 =	simm.s32 @!p1 $0x0  }
0x14: {  	s2 =	sld [smem:$0x3F98];
	s0 =	simm.s32 @p1 $0x1  }
0x15: {  	[smem:$0x3FB5] =	sst s0;
	s0 =	simm.s32 @!p2 $0x0  }
0x16: {  	s3 =	sld [smem:$0x3FDB];
	s0 =	simm.s32 @p2 $0x1  }
0x17: {  	s4 =	simm.s32 $0x1BF5;
	[smem:$0x3FB7] =	sst s0  }
0x18: {  	s0 =	sld [smem:$0x3F9A];
	_ =	swait.ge [sflag:s4], $0x0  }
0x19: {  	s7 =	sld [smem:$0x3F9B]  }
0x1a: {  	s8 =	sadd.s32 $0xFFFFE003, lr  }
0x1b: {  	s9 =	sadd.s32 $0xFFFFFEF7, lr;
	s5 =	simm.s32 $0xFFFFFFFF;
	p2 =	slt.u32 s8, $0xFFFFF086  }
0x1c: {  	p1 =	slt.u32 s9, $0xF7A;
	s5 =	simm.s32 @!p2 $0x0  }
0x1d: {  	s5 =	simm.s32 @p1 $0x1;
	p0 =	seq.s32 s7, s2  }
0x1e: {  	s7 =	smul.u32 @!p0 $0xF7A, s2;
	p2 =	seq.s32 @!p0 s5, $0x0  }
0x1f: {  	s9 =	smul.u32 $0xF7A, s1;
	s8 =	simm.s32 @!p0 $0x1BF5;
	p2 =	por !p2, p0  }
0x20: {  	[sflag:s8] =	ssyncset.s32 @!p0 $0xFFFFF086;
	s6 =	sadd.s32 @!p0 s3, s7;
	s7 =	simm.s32 @!p0 $0x108  }
0x21: {  	s3 =	sadd.s32 s3, s9;
	s6 =	sadd.s32 @!p0 $0x88, s6;
	s7 =	simm.s32 @p2 $0x1082  }
0x22: {  	[simem:s7], [sflag:s8] =	dma.local @!p0 [hbm:s6], $0xF7A  }
0x23: {  	s9 =	sor.u32 $0xD0000000, s2;
	s6 =	simm.s32 $0x108;
	_ =	swait.ge @!p0 [sflag:s8], $0x0  }
0x24: {  	s3 =	sadd.s32 $0x88, s3;
	s6 =	simm.s32 @!p1 $0x1082;
	[sflag:s4] =	ssyncset.s32 $0xFFFFF086  }
0x25: {  	[simem:s6], [sflag:s4] =	dma.local [hbm:s3], $0xF7A  }
0x26: {  	[smem:$0x3F9B] =	sst s1;
	(tag) =	ssettag s2;
	_ =	strace s9  }
0x27: {  	s1 =	sld [smem:$0x3FAB]  }
0x28: {  	s2 =	sld [smem:$0x3FAC]  }
0x29: {  	s4 =	sld [smem:$0x3FAE]  }
0x2a: {  	p0 =	seq.s32 s5, $0x0;
	s5 =	sld [smem:$0x3FAF]  }
0x2b: {  	s6 =	sld [smem:$0x3FB0]  }
0x2c: {  	s7 =	sld [smem:$0x3FB1]  }
0x2d: {  	s3 =	simm.s32 $0x108;
	s8 =	sld [smem:$0x3FB2]  }
0x2e: {  	s3 =	simm.s32 @!p0 $0x1082;
	s9 =	sld [smem:$0x3FB3]  }
0x2f: {  	lr =	sadd.s32 s0, s3;
	s0 =	sld [smem:$0x3FAA]  }
0x30: {  	s3 =	sld [smem:$0x3FAD]  }
0x31: {  	[smem:$0x3FB6] =	sst s10  }
0x32: {  	s10 =	sld [smem:$0x3FB4];
	_ =	sdelay $0x3  }
0x33: {  	p0 =	seq.s32 s10, $0x1;
	s10 =	sld [smem:$0x3FB6];
	_ =	sdelay $0x3  }
0x34: {  	[smem:$0x3FB6] =	sst s10  }
0x35: {  	s10 =	sld [smem:$0x3FB5];
	_ =	sdelay $0x3  }
0x36: {  	p1 =	seq.s32 s10, $0x1;
	s10 =	sld [smem:$0x3FB6];
	_ =	sdelay $0x3  }
0x37: {  	[smem:$0x3FB6] =	sst s10  }
0x38: {  	s10 =	sld [smem:$0x3FB7]  }
0x39: {  	_ = 	snop;
	(pc) =	sbr.ind lr, $3  }
0x3a: {  	_ = 	snop  }
0x3b: {  	_ = 	snop  }
0x3c: {  	p2 =	seq.s32 s10, $0x1;
	s10 =	sld [smem:$0x3FB6]  }
0x3d: {  	_ =	shalt  }
0x3e: {  	_ =	shalt  }
0x3f: {  	_ =	shalt  }
0x40: {  	_ =	shalt  }
0x41: {  	_ =	shalt  }
0x42: {  	_ =	shalt  }
0x43: {  	_ =	shalt  }
0x44: {  	_ =	shalt  }
0x45: {  	_ =	shalt  }
0x46: {  	_ =	shalt  }
0x47: {  	_ =	shalt  }
0x48: {  	_ =	shalt  }
0x49: {  	_ =	shalt  }
0x4a: {  	_ =	shalt  }
0x4b: {  	_ =	shalt  }
0x4c: {  	_ =	shalt  }
0x4d: {  	_ =	shalt  }
0x4e: {  	_ =	shalt  }
0x4f: {  	_ =	shalt  }
0x50: {  	_ =	shalt  }
0x51: {  	_ =	shalt  }
0x52: {  	_ =	shalt  }
0x53: {  	_ =	shalt  }
0x54: {  	_ =	shalt  }
0x55: {  	_ =	shalt  }
0x56: {  	_ =	shalt  }
0x57: {  	_ =	shalt  }
0x58: {  	_ =	shalt  }
0x59: {  	_ =	shalt  }
0x5a: {  	_ =	shalt  }
0x5b: {  	_ =	shalt  }
0x5c: {  	_ =	shalt  }
0x5d: {  	_ =	shalt  }
0x5e: {  	_ =	shalt  }
0x5f: {  	_ =	shalt  }
0x60: {  	_ =	shalt  }
0x61: {  	_ =	shalt  }
0x62: {  	_ =	shalt  }
0x63: {  	_ =	shalt  }
0x64: {  	_ =	shalt  }
0x65: {  	_ =	shalt  }
0x66: {  	_ =	shalt  }
0x67: {  	_ =	shalt  }
0x68: {  	_ =	shalt  }
0x69: {  	_ =	shalt  }
0x6a: {  	_ =	shalt  }
0x6b: {  	_ =	shalt  }
0x6c: {  	_ =	shalt  }
0x6d: {  	_ =	shalt  }
0x6e: {  	_ =	shalt  }
0x6f: {  	_ =	shalt  }
0x70: {  	_ =	shalt  }
0x71: {  	_ =	shalt  }
0x72: {  	_ =	shalt  }
0x73: {  	_ =	shalt  }
0x74: {  	_ =	shalt  }
0x75: {  	_ =	shalt  }
0x76: {  	_ =	shalt  }
0x77: {  	_ =	shalt  }
0x78: {  	_ =	shalt  }
0x79: {  	_ =	shalt  }
0x7a: {  	_ =	shalt  }
0x7b: {  	_ =	shalt  }
0x7c: {  	_ =	shalt  }
0x7d: {  	_ =	shalt  }
0x7e: {  	_ =	shalt  }
0x7f: {  	_ =	shalt  }
0x80: {  	_ =	shalt  }
0x81: {  	_ =	shalt  }
0x82: {  	_ =	shalt  }
0x83: {  	_ =	shalt  }
0x84: {  	_ =	shalt  }
0x85: {  	_ =	shalt  }
0x86: {  	_ =	shalt  }
0x87: {  	_ =	shalt  }
.Lfunc_end0:
.L_simem_size_0:
called_computation_lowered:
.L_overlay_start_0:
0x88: {  	s2 =	sld [smem:$0x3FD9]  }
0x89: {  	s3 =	sld [smem:$0x3FFE];
	_ =	sdelay $0x1  }
0x8a: {  	s1 =	srdreg.scid  }
0x8b: {  	s0 =	sand.u32 $0x1, s1  }
0x8c: {  	s17 =	sshll.u32 s0, $0xA;
	s2 =	sadd.s32 s3, s2  }
0x8d: {  	s2 =	sadd.s32 s2, s17  }
0x8e: {  	[smem:$0x3FC2] =	sst s2  }
0x8f: {  	_ = 	snop  }
0x90: {  	s2 =	sld [smem:$0x3FD0];
	(tm) =	ssettm $0x1  }
0x91: {  	s18 =	sld [smem:$0x3FFB];
	_ =	sdelay $0x3  }
0x92: {  	_ =	strace s18  }
0x93: {  	s3 =	sld [smem:$0x3FFC];
	_ =	sdelay $0x3  }
0x94: {  	_ =	strace s3  }
0x95: {  	s3 =	sld [smem:$0x3FFD];
	_ =	sdelay $0x3  }
0x96: {  	_ =	strace s3  }
0x97: {  	_ =	strace $0x8FFFFFFF  }
0x98: {  	s19 =	sld [smem:$0x3FDB];
	_ =	sdelay $0x1  }
0x99: {  	s4 =	simm.s32 $_scs_section_size  }
0x9a: {  	s5 =	simm.s32 $_size__tile_overlayer_lowered;
	s6 =	simm.s32 $_tile_overlayer_lowered  }
0x9b: {  	s22 =	simm.s32 $0x1BFF;
	s21 =	sshll.u32 s6, $0x1;
	s3 =	sadd.s32 s4, s19  }
0x9c: {  	s7 =	simm.s32 $0x0;
	s20 =	sshll.u32 s5, $0x1;
	s5 =	sadd.s32 s21, s3  }
0x9d: {  	[timem:s7], [sflag:s22] =	dma.local [hbm:s5], s20  }
0x9e: {  	_ =	swait.ge [sflag:s22], s20  }
0x9f: {  	s4 =	ssub.s32 $0x0, s20;
	[sflag:s22] =	ssyncset.done $0x0  }
0xa0: {  	[sflag:s22] =	ssyncadd.s32 s4;
	_ =	sdelay $0x1  }
0xa1: {  	s23 =	simm.s32 $0x1B8B  }
0xa2: {  	_ =	swait.ge [sflag:s23], $0x1  }
0xa3: {  	[sflag:s23] =	ssyncset.done $0x0  }
0xa4: {  	s25 =	simm.s32 $0x1B8E;
	s24 =	sld [smem:$0x3FFE];
	[sflag:s23] =	ssyncadd.s32 $0xFFFFFFFF  }
0xa5: {  	s26 =	simm.s32 $execute0_lowered;
	[smem:$0x3FD2] =	sst s25  }
0xa6: {  	s5 =	sshll.u32 s26, $0x1;
	_ =	strace $0x80000046;
	[dreg:$0x1] =	wrdreg $0xFFFFFFFF  }
0xa7: {  	s28 =	simm.s32 $_size_execute0_lowered;
	s3 =	sadd.s32 s3, s5;
	[dreg:$0x0] =	wrdreg $0x0  }
0xa8: {  	s5 =	sshll.u32 s28, $0x1;
	[dreg:$0x2] =	wrdreg s3  }
0xa9: {  	[dreg:$0x3] =	wrdreg s5  }
0xaa: {  	[dreg:$0x4] =	wrdreg $0xC0  }
0xab: {  	_ =	task [dreg:s7], $0x5FFFF  }
0xac: {  	[dreg:$0x1] =	wrdreg $0xFFFFFFFF  }
0xad: {  	[dreg:$0x0] =	wrdreg $0x60  }
0xae: {  	[dreg:$0x2] =	wrdreg s24  }
0xaf: {  	[dreg:$0x3] =	wrdreg s2  }
0xb0: {  	[dreg:$0x4] =	wrdreg $0x9  }
0xb1: {  	_ =	task.clear_ibuf [dreg:s7], $0x5FFFF;
	_ =	strace $0x90000046  }
0xb2: {  	s29 =	simm.s32 $0x9;
	_ =	strace $0x80000048  }
0xb3: {  	_ =	swait.ge [sflag:s29], $0x1  }
0xb4: {  	[sflag:s29] =	ssyncadd.s32 $0xFFFFFFFF  }
0xb5: {  	_ =	strace $0x90000048  }
0xb6: {  	_ =	sfence  }
0xb7: {  	s30 =	sld [smem:$0x0];
	_ =	sdelay $0x2  }
0xb8: {  	s31 =	sshll.u32 s1, $0xD;
	s1 =	sshrl.u32 s1, $0x2  }
0xb9: {  	s3 =	sand.u32 $0x4000, s31;
	s1 =	sadd.s32 s1, s30  }
0xba: {  	s0 =	sor.u32 s3, s0;
	s1 =	sshll.u32 s1, $0x11  }
0xbb: {  	s0 =	sor.u32 s1, s0  }
0xbc: {  	s0 =	sadd.s32 $0x8F2B, s0  }
0xbd: {  	[sflag:s0] =	ssyncadd.remote.s32 $0x1  }
0xbe: {  	_ =	sfence.sel $0xFFFF  }
0xbf: {  	[dreg:$0x0] =	wrdreg $0xFFFFFFFF;
	(pc) =	sbr.abs _section_cstart, $3  }
0xc0: {  	[dreg:$0x1] =	wrdreg $0xFFFFFFFF  }
0xc1: {  	_ =	task.clear_ibuf [dreg:s7], $0x2FFFF;
	_ =	strace $0x9FFFFFFF  }
0xc2: {  	(tm) =	ssettm $0x7FFFFFFF  }
0xc3: {  	_ =	shalt  }
tec
execute0_lowered:
.L_overlay_start_1:
0x0: {  	(tag) =	ssettag $0x1  }
0x1: {  	s3 =	rddreg [dreg:$0x0]  }
0x2: {  	s1 =	srdreg.scid;
	s0 =	stileid.u32  }
0x3: {  	s4 =	rddreg [dreg:$0x1];
	s5 =	sand.u32 $0x1, s1;
	s2 =	sshll.u32 s0, $0x1  }
0x4: {  	s1 =	rddreg [dreg:$0x2];
	s6 =	sor.u32 s5, s2  }
0x5: {  	s2 =	simm.s32 $0x0;
	s5 =	ssub.s32 $0x2, s5;
	s7 =	smul.u32 $0x4E2, s6  }
0x6: {  	[smem:$0x7FF] =	sst s2;
	s8 =	sshrl.u32 s5, $0x1;
	s6 =	smul.u32 $0x500, s6  }
0x7: {  	_ =	strace $0x80000047;
	s5 =	ssub.s32 s5, s8;
	s8 =	simm.s32 $0x0  }
0x8: {  	s3 =	sadd.s32 s7, s3;
	s4 =	sadd.s32 s4, s6;
	s5 =	smax.u32 s5, $0x1  }
0x9: {  	v0 =	vimm.f32 $0.0e+00;
	v1 =	vimm.f32 $1.000000000e+00;
	s6 =	simm.s32 $0x2800;
	s7 =	simm.s32 $0x1;
	s3 =	sadd.s32 $0xB400, s3  }
.LBB2_1:
0xa: {  	s10 =	simm.s32 $0x140;
	s9 =	simm.s32 $0x0  }
.LBB2_2:
0xb: {  	p0 =	sne.s32 s10, $0x9EC0;
	[tilespmem:s9+$0x40] =	vst v0;
	s11 =	smov.u32 s10;
	s10 =	sadd.s32 $0x140, s10  }
.Ltmp0:
0xc: {  	[tilespmem:s9+$0x30] =	vst v0;
	(pc) =	sbr.rel @p0 .LBB2_2-.Ltmp0, $4  }
0xd: {  	[tilespmem:s9+$0x20] =	vst v0  }
0xe: {  	[tilespmem:s9+$0x0] =	vst v0  }
0xf: {  	[tilespmem:s9+$0x10] =	vst v0  }
0x10: {  	s9 =	sshra.s32 s11, $0x2  }
0x11: {  	[tilespmem:s9+$0x40] =	vst v0  }
0x12: {  	[tilespmem:s9+$0x30] =	vst v0  }
0x13: {  	[tilespmem:s9+$0x20] =	vst v0  }
0x14: {  	[tilespmem:s9+$0x0] =	vst v0  }
0x15: {  	[tilespmem:s9+$0x10] =	vst v0;
	s9 =	simm.s32 $0x0  }
0x16: {  	[tilespmem:s6], [sflag:$0x1] =	stream.linear.gather [hbm4b:s3+s9], $0x2710, $0x38;
	[tilespmem:$0x4F80] =	vst v63  }
0x17: {  	_ =	swait.ge [sflag:s7], $0x2710  }
0x18: {  	[sflag:s7] =	ssyncset.done $0x0  }
0x19: {  	[sflag:s7] =	ssyncadd.s32 $0xFFFFD8F0  }
.LBB2_4:
0x1a: {  	s10 =	sshra.s32 s9, $0x2  }
0x1b: {  	v2 =	vld [tilespmem:s10+$0x2800];
	_ =	sdelay $0x7  }
0x1c: {  	[tilespmem:v2+s2+$0x0] =	vst.idx.add.f32.msk $0xffff, v1  }
0x1d: {  	v2 =	vld [tilespmem:s10+$0x2810];
	_ =	sdelay $0x7  }
0x1e: {  	[tilespmem:v2+s2+$0x0] =	vst.idx.add.f32.msk $0xffff, v1  }
0x1f: {  	v2 =	vld [tilespmem:s10+$0x2820];
	_ =	sdelay $0x7  }
0x20: {  	[tilespmem:v2+s2+$0x0] =	vst.idx.add.f32.msk $0xffff, v1  }
0x21: {  	v2 =	vld [tilespmem:s10+$0x2830];
	_ =	sdelay $0x7  }
0x22: {  	[tilespmem:v2+s2+$0x0] =	vst.idx.add.f32.msk $0xffff, v1  }
0x23: {  	v2 =	vld [tilespmem:s10+$0x2840];
	_ =	sdelay $0x2  }
0x24: {  	p0 =	sne.s32 s9, $0x9B00  }
.Ltmp1:
0x25: {  	_ = 	snop;
	(pc) =	sbr.rel @p0 .LBB2_4-.Ltmp1, $2  }
0x26: {  	_ =	sdelay $0x2  }
0x27: {  	s9 =	sadd.s32 $0x140, s9;
	[tilespmem:v2+s2+$0x0] =	vst.idx.add.f32.msk $0xffff, v1  }
0x28: {  	s8 =	sadd.s32 $0x1, s8  }
0x29: {  	p0 =	sne.s32 s8, s5  }
.Ltmp2:
0x2a: {  	_ = 	snop;
	(pc) =	sbr.rel @p0 .LBB2_1-.Ltmp2, $4  }
0x2b: {  	[hbm4b:s4+s2] =	stream.linear.scatter [tilespmem:s2], [sflag:$0x1], $0x2800, $0x38;
	[tilespmem:$0x4F80] =	vst v63  }
0x2c: {  	_ =	swait.ge [sflag:s7], $0x2800  }
0x2d: {  	[sflag:s7] =	ssyncset.done $0x0  }
0x2e: {  	[sflag:s7] =	ssyncadd.s32 $0xFFFFD800  }
0x2f: {  	_ =	sfence.sel $0x180000  }
0x30: {  	[bflag:$0x0] =	sbarrier.arrive $0xFFFF  }
0x31: {  	p0 =	sne.s32 s0, $0x0;
	_ =	strace $0x90000047  }
0x32: {  	s0 =	sadd.s32 @!p0 $0x100000, s1;
	[bflag:$0x2] =	sbarrier.arrive $0xFFFF  }
0x33: {  	[sflag:s0] =	ssyncadd.tile.s32 @!p0 $0x1;
	_ =	shalt  }
.Lfunc_end2:
_tile_overlayer_lowered:
.L_overlay_start_2:
0x34: {  	(tag) =	ssettag $0x2  }
0x35: {  	s0 =	rddreg [dreg:$0x0];
	s2 =	stileid.u32  }
0x36: {  	s1 =	rddreg [dreg:$0x1];
	p0 =	sne.s32 s2, $0x0  }
0x37: {  	s3 =	rddreg [dreg:$0x2];
	[bflag:$0x3] =	sbarrier.arrive $0xFFFF;
	s2 =	simm.s32 @!p0 $0x1C01  }
0x38: {  	[timem:s3], [sflag:s2] =	dma.local @!p0 [hbm:s0], s1  }
0x39: {  	s0 =	simm.s32 @!p0 $0x1  }
0x3a: {  	_ =	swait.ge @!p0 [sflag:s0], s1  }
0x3b: {  	s1 =	ssub.s32 @!p0 $0x0, s1;
	[sflag:s0] =	ssyncset.done @!p0 $0x0  }
0x3c: {  	[sflag:s0] =	ssyncadd.s32 @!p0 s1  }
0x3d: {  	[bflag:$0x3] =	sbarrier.arrive $0xFFFF  }
0x3e: {  	_ =	shalt  }

// kernel: kernel.9.cloned.1.call-start
scs
__scs_entry_jumppad:
0x0: {  	(pc) =	sbr.rel $0x88, $3  }
0x1: {  	(tag) =	ssettag $0x0;
	lr =	simm.s32 $0x1  }
0x2: {  	[smem:$0x3F9B] =	sst lr;
	_ =	strace $0xD0000000  }
0x3: {  	_ = 	snop  }
0x4: {  	_ = 	snop  }
0x5: {  	_ = 	snop  }
0x6: {  	_ = 	snop  }
0x7: {  	_ = 	snop  }
__scs_overlays_trampoline_lowered:
0x8: {  	[smem:$0x3FAA] =	sst s0  }
0x9: {  	[smem:$0x3FAB] =	sst s1  }
0xa: {  	[smem:$0x3FAC] =	sst s2  }
0xb: {  	[smem:$0x3FAD] =	sst s3  }
0xc: {  	[smem:$0x3FAE] =	sst s4  }
0xd: {  	[smem:$0x3FAF] =	sst s5  }
0xe: {  	[smem:$0x3FB0] =	sst s6  }
0xf: {  	[smem:$0x3FB1] =	sst s7  }
0x10: {  	[smem:$0x3FB2] =	sst s8  }
0x11: {  	[smem:$0x3FB3] =	sst s9;
	s0 =	simm.s32 @!p0 $0x0  }
0x12: {  	s1 =	sld [smem:$0x3F99];
	s0 =	simm.s32 @p0 $0x1  }
0x13: {  	[smem:$0x3FB4] =	sst s0;
	s0 =	simm.s32 @!p1 $0x0  }
0x14: {  	s2 =	sld [smem:$0x3F98];
	s0 =	simm.s32 @p1 $0x1  }
0x15: {  	[smem:$0x3FB5] =	sst s0;
	s0 =	simm.s32 @!p2 $0x0  }
0x16: {  	s3 =	sld [smem:$0x3FDB];
	s0 =	simm.s32 @p2 $0x1  }
0x17: {  	s4 =	simm.s32 $0x1BF5;
	[smem:$0x3FB7] =	sst s0  }
0x18: {  	s0 =	sld [smem:$0x3F9A];
	_ =	swait.ge [sflag:s4], $0x0  }
0x19: {  	s7 =	sld [smem:$0x3F9B]  }
0x1a: {  	s8 =	sadd.s32 $0xFFFFE003, lr  }
0x1b: {  	s9 =	sadd.s32 $0xFFFFFEF7, lr;
	s5 =	simm.s32 $0xFFFFFFFF;
	p2 =	slt.u32 s8, $0xFFFFF086  }
0x1c: {  	p1 =	slt.u32 s9, $0xF7A;
	s5 =	simm.s32 @!p2 $0x0  }
0x1d: {  	s5 =	simm.s32 @p1 $0x1;
	p0 =	seq.s32 s7, s2  }
0x1e: {  	s7 =	smul.u32 @!p0 $0xF7A, s2;
	p2 =	seq.s32 @!p0 s5, $0x0  }
0x1f: {  	s9 =	smul.u32 $0xF7A, s1;
	s8 =	simm.s32 @!p0 $0x1BF5;
	p2 =	por !p2, p0  }
0x20: {  	[sflag:s8] =	ssyncset.s32 @!p0 $0xFFFFF086;
	s6 =	sadd.s32 @!p0 s3, s7;
	s7 =	simm.s32 @!p0 $0x108  }
0x21: {  	s3 =	sadd.s32 s3, s9;
	s6 =	sadd.s32 @!p0 $0x88, s6;
	s7 =	simm.s32 @p2 $0x1082  }
0x22: {  	[simem:s7], [sflag:s8] =	dma.local @!p0 [hbm:s6], $0xF7A  }
0x23: {  	s9 =	sor.u32 $0xD0000000, s2;
	s6 =	simm.s32 $0x108;
	_ =	swait.ge @!p0 [sflag:s8], $0x0  }
0x24: {  	s3 =	sadd.s32 $0x88, s3;
	s6 =	simm.s32 @!p1 $0x1082;
	[sflag:s4] =	ssyncset.s32 $0xFFFFF086  }
0x25: {  	[simem:s6], [sflag:s4] =	dma.local [hbm:s3], $0xF7A  }
0x26: {  	[smem:$0x3F9B] =	sst s1;
	(tag) =	ssettag s2;
	_ =	strace s9  }
0x27: {  	s1 =	sld [smem:$0x3FAB]  }
0x28: {  	s2 =	sld [smem:$0x3FAC]  }
0x29: {  	s4 =	sld [smem:$0x3FAE]  }
0x2a: {  	p0 =	seq.s32 s5, $0x0;
	s5 =	sld [smem:$0x3FAF]  }
0x2b: {  	s6 =	sld [smem:$0x3FB0]  }
0x2c: {  	s7 =	sld [smem:$0x3FB1]  }
0x2d: {  	s3 =	simm.s32 $0x108;
	s8 =	sld [smem:$0x3FB2]  }
0x2e: {  	s3 =	simm.s32 @!p0 $0x1082;
	s9 =	sld [smem:$0x3FB3]  }
0x2f: {  	lr =	sadd.s32 s0, s3;
	s0 =	sld [smem:$0x3FAA]  }
0x30: {  	s3 =	sld [smem:$0x3FAD]  }
0x31: {  	[smem:$0x3FB6] =	sst s10  }
0x32: {  	s10 =	sld [smem:$0x3FB4];
	_ =	sdelay $0x3  }
0x33: {  	p0 =	seq.s32 s10, $0x1;
	s10 =	sld [smem:$0x3FB6];
	_ =	sdelay $0x3  }
0x34: {  	[smem:$0x3FB6] =	sst s10  }
0x35: {  	s10 =	sld [smem:$0x3FB5];
	_ =	sdelay $0x3  }
0x36: {  	p1 =	seq.s32 s10, $0x1;
	s10 =	sld [smem:$0x3FB6];
	_ =	sdelay $0x3  }
0x37: {  	[smem:$0x3FB6] =	sst s10  }
0x38: {  	s10 =	sld [smem:$0x3FB7]  }
0x39: {  	_ = 	snop;
	(pc) =	sbr.ind lr, $3  }
0x3a: {  	_ = 	snop  }
0x3b: {  	_ = 	snop  }
0x3c: {  	p2 =	seq.s32 s10, $0x1;
	s10 =	sld [smem:$0x3FB6]  }
0x3d: {  	_ =	shalt  }
0x3e: {  	_ =	shalt  }
0x3f: {  	_ =	shalt  }
0x40: {  	_ =	shalt  }
0x41: {  	_ =	shalt  }
0x42: {  	_ =	shalt  }
0x43: {  	_ =	shalt  }
0x44: {  	_ =	shalt  }
0x45: {  	_ =	shalt  }
0x46: {  	_ =	shalt  }
0x47: {  	_ =	shalt  }
0x48: {  	_ =	shalt  }
0x49: {  	_ =	shalt  }
0x4a: {  	_ =	shalt  }
0x4b: {  	_ =	shalt  }
0x4c: {  	_ =	shalt  }
0x4d: {  	_ =	shalt  }
0x4e: {  	_ =	shalt  }
0x4f: {  	_ =	shalt  }
0x50: {  	_ =	shalt  }
0x51: {  	_ =	shalt  }
0x52: {  	_ =	shalt  }
0x53: {  	_ =	shalt  }
0x54: {  	_ =	shalt  }
0x55: {  	_ =	shalt  }
0x56: {  	_ =	shalt  }
0x57: {  	_ =	shalt  }
0x58: {  	_ =	shalt  }
0x59: {  	_ =	shalt  }
0x5a: {  	_ =	shalt  }
0x5b: {  	_ =	shalt  }
0x5c: {  	_ =	shalt  }
0x5d: {  	_ =	shalt  }
0x5e: {  	_ =	shalt  }
0x5f: {  	_ =	shalt  }
0x60: {  	_ =	shalt  }
0x61: {  	_ =	shalt  }
0x62: {  	_ =	shalt  }
0x63: {  	_ =	shalt  }
0x64: {  	_ =	shalt  }
0x65: {  	_ =	shalt  }
0x66: {  	_ =	shalt  }
0x67: {  	_ =	shalt  }
0x68: {  	_ =	shalt  }
0x69: {  	_ =	shalt  }
0x6a: {  	_ =	shalt  }
0x6b: {  	_ =	shalt  }
0x6c: {  	_ =	shalt  }
0x6d: {  	_ =	shalt  }
0x6e: {  	_ =	shalt  }
0x6f: {  	_ =	shalt  }
0x70: {  	_ =	shalt  }
0x71: {  	_ =	shalt  }
0x72: {  	_ =	shalt  }
0x73: {  	_ =	shalt  }
0x74: {  	_ =	shalt  }
0x75: {  	_ =	shalt  }
0x76: {  	_ =	shalt  }
0x77: {  	_ =	shalt  }
0x78: {  	_ =	shalt  }
0x79: {  	_ =	shalt  }
0x7a: {  	_ =	shalt  }
0x7b: {  	_ =	shalt  }
0x7c: {  	_ =	shalt  }
0x7d: {  	_ =	shalt  }
0x7e: {  	_ =	shalt  }
0x7f: {  	_ =	shalt  }
0x80: {  	_ =	shalt  }
0x81: {  	_ =	shalt  }
0x82: {  	_ =	shalt  }
0x83: {  	_ =	shalt  }
0x84: {  	_ =	shalt  }
0x85: {  	_ =	shalt  }
0x86: {  	_ =	shalt  }
0x87: {  	_ =	shalt  }
.Lfunc_end0:
.L_simem_size_0:
called_computation.1_lowered:
.L_overlay_start_0:
0x88: {  	s2 =	sld [smem:$0x3FD9]  }
0x89: {  	s3 =	sld [smem:$0x3FFE];
	_ =	sdelay $0x1  }
0x8a: {  	s1 =	srdreg.scid  }
0x8b: {  	s0 =	sand.u32 $0x1, s1  }
0x8c: {  	s17 =	sshll.u32 s0, $0xA;
	s2 =	sadd.s32 s3, s2  }
0x8d: {  	s2 =	sadd.s32 s2, s17  }
0x8e: {  	[smem:$0x3FC2] =	sst s2  }
0x8f: {  	_ = 	snop  }
0x90: {  	s2 =	sld [smem:$0x3FD0];
	(tm) =	ssettm $0x1  }
0x91: {  	s18 =	sld [smem:$0x3FFB];
	_ =	sdelay $0x3  }
0x92: {  	_ =	strace s18  }
0x93: {  	s3 =	sld [smem:$0x3FFC];
	_ =	sdelay $0x3  }
0x94: {  	_ =	strace s3  }
0x95: {  	s3 =	sld [smem:$0x3FFD];
	_ =	sdelay $0x3  }
0x96: {  	_ =	strace s3  }
0x97: {  	_ =	strace $0x8FFFFFFF  }
0x98: {  	s19 =	sld [smem:$0x3FDB];
	_ =	sdelay $0x1  }
0x99: {  	s4 =	simm.s32 $_scs_section_size  }
0x9a: {  	s5 =	simm.s32 $_size__tile_overlayer_lowered;
	s6 =	simm.s32 $_tile_overlayer_lowered  }
0x9b: {  	s22 =	simm.s32 $0x1BFF;
	s21 =	sshll.u32 s6, $0x1;
	s3 =	sadd.s32 s4, s19  }
0x9c: {  	s7 =	simm.s32 $0x0;
	s20 =	sshll.u32 s5, $0x1;
	s5 =	sadd.s32 s21, s3  }
0x9d: {  	[timem:s7], [sflag:s22] =	dma.local [hbm:s5], s20  }
0x9e: {  	_ =	swait.ge [sflag:s22], s20  }
0x9f: {  	s4 =	ssub.s32 $0x0, s20;
	[sflag:s22] =	ssyncset.done $0x0  }
0xa0: {  	[sflag:s22] =	ssyncadd.s32 s4;
	_ =	sdelay $0x1  }
0xa1: {  	s23 =	simm.s32 $0x1B8B  }
0xa2: {  	_ =	swait.ge [sflag:s23], $0x1  }
0xa3: {  	[sflag:s23] =	ssyncset.done $0x0  }
0xa4: {  	s25 =	simm.s32 $0x1B8E;
	s24 =	sld [smem:$0x3FFE];
	[sflag:s23] =	ssyncadd.s32 $0xFFFFFFFF  }
0xa5: {  	s26 =	simm.s32 $execute0_lowered;
	[smem:$0x3FD2] =	sst s25  }
0xa6: {  	s5 =	sshll.u32 s26, $0x1;
	_ =	strace $0x80000049;
	[dreg:$0x1] =	wrdreg $0xFFFFFFFF  }
0xa7: {  	s28 =	simm.s32 $_size_execute0_lowered;
	s3 =	sadd.s32 s3, s5;
	[dreg:$0x0] =	wrdreg $0x0  }
0xa8: {  	s5 =	sshll.u32 s28, $0x1;
	[dreg:$0x2] =	wrdreg s3  }
0xa9: {  	[dreg:$0x3] =	wrdreg s5  }
0xaa: {  	[dreg:$0x4] =	wrdreg $0xC0  }
0xab: {  	_ =	task [dreg:s7], $0x5FFFF  }
0xac: {  	[dreg:$0x1] =	wrdreg $0xFFFFFFFF  }
0xad: {  	[dreg:$0x0] =	wrdreg $0x60  }
0xae: {  	[dreg:$0x2] =	wrdreg s24  }
0xaf: {  	[dreg:$0x3] =	wrdreg s2  }
0xb0: {  	[dreg:$0x4] =	wrdreg $0x0  }
0xb1: {  	[dreg:$0x5] =	wrdreg $0x9  }
0xb2: {  	_ =	task.clear_ibuf [dreg:s7], $0x6FFFF;
	_ =	strace $0x90000049  }
0xb3: {  	s29 =	simm.s32 $0x9;
	_ =	strace $0x8000004B  }
0xb4: {  	_ =	swait.ge [sflag:s29], $0x1  }
0xb5: {  	[sflag:s29] =	ssyncadd.s32 $0xFFFFFFFF  }
0xb6: {  	_ =	strace $0x9000004B  }
0xb7: {  	_ =	sfence  }
0xb8: {  	s30 =	sld [smem:$0x0];
	_ =	sdelay $0x2  }
0xb9: {  	s31 =	sshll.u32 s1, $0xD;
	s1 =	sshrl.u32 s1, $0x2  }
0xba: {  	s3 =	sand.u32 $0x4000, s31;
	s1 =	sadd.s32 s1, s30  }
0xbb: {  	s0 =	sor.u32 s3, s0;
	s1 =	sshll.u32 s1, $0x11  }
0xbc: {  	s0 =	sor.u32 s1, s0  }
0xbd: {  	s0 =	sadd.s32 $0x8F2B, s0  }
0xbe: {  	[sflag:s0] =	ssyncadd.remote.s32 $0x1  }
0xbf: {  	_ =	sfence.sel $0xFFFF  }
0xc0: {  	[dreg:$0x0] =	wrdreg $0xFFFFFFFF;
	(pc) =	sbr.abs _section_cstart, $3  }
0xc1: {  	[dreg:$0x1] =	wrdreg $0xFFFFFFFF  }
0xc2: {  	_ =	task.clear_ibuf [dreg:s7], $0x2FFFF;
	_ =	strace $0x9FFFFFFF  }
0xc3: {  	(tm) =	ssettm $0x7FFFFFFF  }
tec
execute0_lowered:
.L_overlay_start_1:
0x0: {  	(tag) =	ssettag $0x1  }
0x1: {  	s6 =	rddreg [dreg:$0x0]  }
0x2: {  	s1 =	srdreg.scid;
	s2 =	rddreg [dreg:$0x1]  }
0x3: {  	s0 =	stileid.u32;
	s3 =	rddreg [dreg:$0x2];
	s4 =	simm.s32 $0x0  }
0x4: {  	s12 =	simm.s32 $0x16780;
	s15 =	simm.s32 $0x50;
	s16 =	simm.s32 $0x18F00  }
0x5: {  	s17 =	simm.s32 $0x14050;
	s18 =	simm.s32 $0x1B700;
	s19 =	simm.s32 $0x1  }
0x6: {  	s20 =	simm.s32 $0x3;
	s21 =	simm.s32 $0x2;
	s22 =	simm.s32 $0x4  }
0x7: {  	s23 =	simm.s32 $0x18DA0;
	s24 =	simm.s32 $0x166C0;
	s25 =	simm.s32 $0x18DF0  }
0x8: {  	s26 =	simm.s32 $0x18E40;
	s28 =	simm.s32 $0x0;
	s7 =	sand.u32 $0x1, s1  }
0x9: {  	s30 =	sshll.u32 s0, $0x1;
	s1 =	rddreg [dreg:$0x3];
	s9 =	smul.u32 $0x2800, s0  }
0xa: {  	[smem:$0x7FF] =	sst s4;
	s11 =	smul.u32 $0x50000, s0;
	s13 =	sshll.u32 s0, $0x6  }
0xb: {  	s5 =	sor.u32 s7, s30;
	_ =	strace $0x8000004A;
	s10 =	smul.u32 $0x28000, s7  }
0xc: {  	s7 =	ssub.s32 $0x2, s7;
	s13 =	sor.u32 $0x1C05, s13;
	s8 =	smul.u32 $0x4E2, s5  }
0xd: {  	s5 =	sadd.s32 $0x15200, s6;
	s31 =	sshrl.u32 s7, $0x1;
	s11 =	sshrl.u32 s11, $0x2  }
0xe: {  	s9 =	sadd.s32 s9, s10;
	s10 =	ssub.s32 s7, s31;
	s14 =	sadd.s32 s11, s3  }
0xf: {  	s11 =	simm.s32 $0x5;
	s8 =	sadd.s32 s8, s6;
	s9 =	sadd.s32 s9, s6  }
0x10: {  	s14 =	sshrl.u32 s14, $0x3;
	s6 =	sadd.s32 $0x1600, s8;
	s7 =	sadd.s32 $0xB400, s8  }
0x11: {  	s8 =	sadd.s32 $0x3C400, s9;
	s9 =	smax.u32 s10, $0x1;
	s10 =	simm.s32 $0x14000  }
.LBB2_1:
0x12: {  	[tilespmem:s10], [sflag:$0x5] =	stream.linear.gather [hbm4b:s6+s4], $0x2710, $0x38;
	[tilespmem:$0x1DF00] =	vst v63  }
0x13: {  	_ =	swait.ge [sflag:s11], $0x2710  }
0x14: {  	[sflag:s11] =	ssyncset.done $0x0  }
0x15: {  	[sflag:s11] =	ssyncadd.s32 $0xFFFFD8F0  }
0x16: {  	[tilespmem:s12], [sflag:$0x5] =	stream.linear.gather [hbm4b:s7+s4], $0x2710, $0x38;
	[tilespmem:$0x1DF00] =	vst v63  }
0x17: {  	_ =	swait.ge [sflag:s11], $0x2710  }
0x18: {  	[sflag:s11] =	ssyncset.done $0x0  }
0x19: {  	[sflag:s11] =	ssyncadd.s32 $0xFFFFD8F0  }
0x1a: {  	[spmem:s14], [sflag:s13] =	dma.local [hbm:s2], $0x2800  }
0x1b: {  	_ =	swait.ge [sflag:s11], $0x2800  }
0x1c: {  	[sflag:s11] =	ssyncset.done $0x0  }
0x1d: {  	[sflag:s11] =	ssyncadd.s32 $0xFFFFD800  }
0x1e: {  	[bflag:$0x0] =	sbarrier.arrive $0xFFFF  }
0x1f: {  	[tilespmem:s16], [sflag:$0x1] =	stream.indirect.gather [hbm4b:s5+s15], $0x80, s10, s15, $0xb8;
	[tilespmem:$0x1DF00] =	vst v63  }
0x20: {  	_ = 	snop  }
0x21: {  	[tilespmem:s18], [sflag:$0x2] =	stream.indirect.gather [hbm4b:s5+s15], $0x80, s17, s15, $0xb8;
	[tilespmem:$0x1DF00] =	vst v63  }
0x22: {  	_ =	swait.ge [sflag:s19], $0x2800  }
0x23: {  	[sflag:s19] =	ssyncset.done $0x0  }
0x24: {  	s29 =	simm.s32 $0x16780;
	[sflag:s19] =	ssyncadd.s32 $0xFFFFD800  }
0x25: {  	[spmem:s3] =	stream.indirect.scatter.add.f32 [tilespmem:s16], [sflag:$0x3], $0x80, s29, s15, $0xb8;
	[tilespmem:$0x1DF00] =	vst v63  }
0x26: {  	_ =	swait.ge [sflag:s20], $0x2800  }
0x27: {  	[sflag:s20] =	ssyncset.done $0x0  }
0x28: {  	s29 =	simm.s32 $0x140A0;
	[sflag:s20] =	ssyncadd.s32 $0xFFFFD800  }
0x29: {  	[tilespmem:s16], [sflag:$0x1] =	stream.indirect.gather [hbm4b:s5+s15], $0x80, s29, s15, $0xb8;
	[tilespmem:$0x1DF00] =	vst v63  }
0x2a: {  	_ =	swait.ge [sflag:s21], $0x2800  }
0x2b: {  	[sflag:s21] =	ssyncset.done $0x0  }
0x2c: {  	s29 =	simm.s32 $0x167D0;
	[sflag:s21] =	ssyncadd.s32 $0xFFFFD800  }
0x2d: {  	[spmem:s3] =	stream.indirect.scatter.add.f32 [tilespmem:s18], [sflag:$0x4], $0x80, s29, s15, $0xb8;
	[tilespmem:$0x1DF00] =	vst v63  }
0x2e: {  	_ =	swait.ge [sflag:s22], $0x2800  }
0x2f: {  	[sflag:s22] =	ssyncset.done $0x0  }
0x30: {  	s30 =	simm.s32 $0x140F0;
	s29 =	simm.s32 $0x280;
	[sflag:s22] =	ssyncadd.s32 $0xFFFFD800  }
.LBB2_2:
0x31: {  	[tilespmem:s18], [sflag:$0x2] =	stream.indirect.gather [hbm4b:s5+s15], $0x80, s30, s15, $0xb8;
	[tilespmem:$0x1DF00] =	vst v63  }
0x32: {  	s30 =	smov.u32 s29  }
0x33: {  	p0 =	sne.s32 s29, $0x9600;
	s29 =	sadd.s32 $0x280, s29;
	_ =	swait.ge [sflag:s19], $0x2800  }
0x34: {  	s30 =	sshra.s32 s30, $0x2;
	[sflag:s19] =	ssyncset.done $0x0  }
0x35: {  	s31 =	sadd.s32 $0x16780, s30;
	[sflag:s19] =	ssyncadd.s32 $0xFFFFD800  }
0x36: {  	[spmem:s3] =	stream.indirect.scatter.add.f32 [tilespmem:s16], [sflag:$0x3], $0x80, s31, s15, $0xb8;
	[tilespmem:$0x1DF00] =	vst v63  }
0x37: {  	_ =	swait.ge [sflag:s20], $0x2800  }
0x38: {  	[sflag:s20] =	ssyncset.done $0x0  }
0x39: {  	s31 =	sadd.s32 $0x140A0, s30;
	[sflag:s20] =	ssyncadd.s32 $0xFFFFD800  }
0x3a: {  	[tilespmem:s16], [sflag:$0x1] =	stream.indirect.gather [hbm4b:s5+s15], $0x80, s31, s15, $0xb8;
	[tilespmem:$0x1DF00] =	vst v63  }
0x3b: {  	_ =	swait.ge [sflag:s21], $0x2800  }
0x3c: {  	[sflag:s21] =	ssyncset.done $0x0  }
.Ltmp0:
0x3d: {  	s31 =	sadd.s32 $0x167D0, s30;
	[sflag:s21] =	ssyncadd.s32 $0xFFFFD800;
	(pc) =	sbr.rel @p0 .LBB2_2-.Ltmp0, $4  }
0x3e: {  	[spmem:s3] =	stream.indirect.scatter.add.f32 [tilespmem:s18], [sflag:$0x4], $0x80, s31, s15, $0xb8;
	[tilespmem:$0x1DF00] =	vst v63  }
0x3f: {  	_ =	swait.ge [sflag:s22], $0x2800  }
0x40: {  	[sflag:s22] =	ssyncset.done $0x0  }
0x41: {  	s30 =	sadd.s32 $0x140F0, s30;
	[sflag:s22] =	ssyncadd.s32 $0xFFFFD800  }
0x42: {  	[tilespmem:s18], [sflag:$0x2] =	stream.indirect.gather [hbm4b:s5+s15], $0x80, s30, s15, $0xb8;
	[tilespmem:$0x1DF00] =	vst v63  }
0x43: {  	_ =	swait.ge [sflag:s19], $0x2800  }
0x44: {  	[sflag:s19] =	ssyncset.done $0x0  }
0x45: {  	[sflag:s19] =	ssyncadd.s32 $0xFFFFD800  }
0x46: {  	[spmem:s3] =	stream.indirect.scatter.add.f32 [tilespmem:s16], [sflag:$0x3], $0x80, s23, s15, $0xb8;
	[tilespmem:$0x1DF00] =	vst v63  }
0x47: {  	_ =	swait.ge [sflag:s20], $0x2800  }
0x48: {  	[sflag:s20] =	ssyncset.done $0x0  }
0x49: {  	[sflag:s20] =	ssyncadd.s32 $0xFFFFD800  }
0x4a: {  	[tilespmem:s16], [sflag:$0x1] =	stream.indirect.gather [hbm4b:s5+s15], $0x80, s24, s15, $0xb8;
	[tilespmem:$0x1DF00] =	vst v63  }
0x4b: {  	_ =	swait.ge [sflag:s21], $0x2800  }
0x4c: {  	[sflag:s21] =	ssyncset.done $0x0  }
0x4d: {  	[sflag:s21] =	ssyncadd.s32 $0xFFFFD800  }
0x4e: {  	[spmem:s3] =	stream.indirect.scatter.add.f32 [tilespmem:s18], [sflag:$0x4], $0x80, s25, s15, $0xb8;
	[tilespmem:$0x1DF00] =	vst v63  }
0x4f: {  	_ =	swait.ge [sflag:s22], $0x2800  }
0x50: {  	[sflag:s22] =	ssyncset.done $0x0  }
0x51: {  	[sflag:s22] =	ssyncadd.s32 $0xFFFFD800  }
0x52: {  	_ =	swait.ge [sflag:s19], $0x2800  }
0x53: {  	[sflag:s19] =	ssyncset.done $0x0  }
0x54: {  	[sflag:s19] =	ssyncadd.s32 $0xFFFFD800  }
0x55: {  	[spmem:s3] =	stream.indirect.scatter.add.f32 [tilespmem:s16], [sflag:$0x3], $0x80, s26, s15, $0xb8;
	[tilespmem:$0x1DF00] =	vst v63  }
0x56: {  	_ =	swait.ge [sflag:s20], $0x2800  }
0x57: {  	s28 =	sadd.s32 $0x1, s28;
	[sflag:s20] =	ssyncset.done $0x0  }
0x58: {  	p0 =	sne.s32 s28, s9;
	[sflag:s20] =	ssyncadd.s32 $0xFFFFD800  }
.Ltmp1:
0x59: {  	[bflag:$0x0] =	sbarrier.arrive $0xFFFF;
	(pc) =	sbr.rel @p0 .LBB2_1-.Ltmp1, $4  }
0x5a: {  	[hbm:s8], [sflag:s13] =	dma.local [spmem:s14], $0x2800  }
0x5b: {  	_ =	swait.ge [sflag:s11], $0x2800  }
0x5c: {  	[sflag:s11] =	ssyncset.done $0x0  }
0x5d: {  	[sflag:s11] =	ssyncadd.s32 $0xFFFFD800  }
0x5e: {  	_ =	sfence.sel $0x180000  }
0x5f: {  	[bflag:$0x0] =	sbarrier.arrive $0xFFFF  }
0x60: {  	p0 =	sne.s32 s0, $0x0;
	_ =	strace $0x9000004A  }
0x61: {  	s0 =	sadd.s32 @!p0 $0x100000, s1;
	[bflag:$0x2] =	sbarrier.arrive $0xFFFF  }
0x62: {  	[sflag:s0] =	ssyncadd.tile.s32 @!p0 $0x1;
	_ =	shalt  }
.Lfunc_end2:
_tile_overlayer_lowered:
.L_overlay_start_2:
0x63: {  	(tag) =	ssettag $0x2  }
0x64: {  	s0 =	rddreg [dreg:$0x0];
	s2 =	stileid.u32  }
0x65: {  	s1 =	rddreg [dreg:$0x1];
	p0 =	sne.s32 s2, $0x0  }
0x66: {  	s3 =	rddreg [dreg:$0x2];
	[bflag:$0x3] =	sbarrier.arrive $0xFFFF;
	s2 =	simm.s32 @!p0 $0x1C05  }
0x67: {  	[timem:s3], [sflag:s2] =	dma.local @!p0 [hbm:s0], s1  }
0x68: {  	s0 =	simm.s32 @!p0 $0x5  }
0x69: {  	_ =	swait.ge @!p0 [sflag:s0], s1  }
0x6a: {  	s1 =	ssub.s32 @!p0 $0x0, s1;
	[sflag:s0] =	ssyncset.done @!p0 $0x0  }
0x6b: {  	[sflag:s0] =	ssyncadd.s32 @!p0 s1  }
0x6c: {  	[bflag:$0x3] =	sbarrier.arrive $0xFFFF  }
0x6d: {  	_ =	shalt  }

</sc_bundles>
